<compile_context>
chip_gen: v7x
topology: tpu7x:2x2x1
jax: 0.10.2.dev20260603
libtpu: 0.0.44.dev20260713+nightly
codegen_flags: <defaults>
</compile_context>

<pallas_src>
import functools

import jax
import jax.numpy as jnp
from jax import lax
from jax.experimental import pallas as pl
from jax.experimental.pallas import tpu as pltpu
from jax.experimental.pallas import tpu_sc as plsc

D = 768
E = 16
F = 2048
T = 2048
M = 128
MF = 128
NT = T // M
EP = 128

NC = 2
NS = 16
NW = NC * NS
RPW = T // NW


def _gate_body(x_ref, wg_ref, bg_ref, pos_ref, off_ref, hi_ref):
    xx = x_ref[...]
    logits16 = jnp.dot(xx, wg_ref[...],
                       preferred_element_type=jnp.float32) + bg_ref[...]
    logits = jnp.concatenate(
        [logits16, jnp.full((T, EP - E), -1e30, jnp.float32)], axis=1)
    lane = lax.broadcasted_iota(jnp.int32, (T, EP), 1)
    mx = jnp.max(logits, axis=-1, keepdims=True)
    e_t = jnp.min(jnp.where(logits == mx, lane, EP), axis=-1, keepdims=True)
    oh = (lane == e_t).astype(jnp.float32)

    counts = jnp.sum(oh, axis=0, keepdims=True)

    r = lax.broadcasted_iota(jnp.int32, (EP, EP), 0)
    c = lax.broadcasted_iota(jnp.int32, (EP, EP), 1)
    lt = (r < c).astype(jnp.float32)
    off = jnp.dot(counts, lt, preferred_element_type=jnp.float32)
    off_ref[...] = off.astype(jnp.int32)
    hi_ref[...] = (off + counts).astype(jnp.int32)

    ri = lax.broadcasted_iota(jnp.int32, (M, M), 0)
    ci = lax.broadcasted_iota(jnp.int32, (M, M), 1)
    tri = (ci <= ri).astype(jnp.float32)
    base = jnp.zeros((1, EP), jnp.float32)
    for b in range(NT):
        ohb = oh[b * M:(b + 1) * M]
        incb = jnp.dot(tri, ohb, preferred_element_type=jnp.float32) + base
        rank = jnp.sum(incb * ohb, axis=-1, keepdims=True) - 1.0
        offt = jnp.sum(off * ohb, axis=-1, keepdims=True)
        pos_ref[b * M:(b + 1) * M, :] = (offt + rank).astype(jnp.int32)
        base = base + jnp.sum(ohb, axis=0, keepdims=True)


def _gate(x_flat, Wg, bg):
    pos2d, off, hi = pl.pallas_call(
        _gate_body,
        out_shape=[
            jax.ShapeDtypeStruct((T, 1), jnp.int32),
            jax.ShapeDtypeStruct((1, EP), jnp.int32),
            jax.ShapeDtypeStruct((1, EP), jnp.int32),
        ],
    )(x_flat, Wg, bg.reshape(1, E))
    return pos2d.reshape(T), off, hi


def _sc_kernel(body):
    return functools.partial(
        pl.kernel, body,
        mesh=plsc.VectorSubcoreMesh(core_axis_name="c",
                                    subcore_axis_name="s"),
        out_type=jax.ShapeDtypeStruct((T, D), jnp.float32),
        scratch_types=[
            pltpu.VMEM((RPW,), jnp.int32),
            pltpu.VMEM((RPW, D), jnp.float32),
            pltpu.SemaphoreType.DMA,
        ],
        compiler_params=pltpu.CompilerParams(skip_device_barrier=True),
    )()


def _dispatch(x_flat, pos):
    def body(x_hbm, pos_hbm, xs_hbm, idx_v, rows_v, sem):
        wid = lax.axis_index("s") * NC + lax.axis_index("c")
        base = wid * RPW
        pltpu.sync_copy(pos_hbm.at[pl.ds(base, RPW)], idx_v)
        pltpu.sync_copy(x_hbm.at[pl.ds(base, RPW)], rows_v)
        pltpu.async_copy(rows_v, xs_hbm.at[idx_v], sem).wait()

    return _sc_kernel(body)(x_flat, pos)


def _combine(ys, pos):
    def body(ys_hbm, pos_hbm, out_hbm, idx_v, rows_v, sem):
        wid = lax.axis_index("s") * NC + lax.axis_index("c")
        base = wid * RPW
        pltpu.sync_copy(pos_hbm.at[pl.ds(base, RPW)], idx_v)
        pltpu.async_copy(ys_hbm.at[idx_v], rows_v, sem).wait()
        pltpu.sync_copy(rows_v, out_hbm.at[pl.ds(base, RPW)])

    return _sc_kernel(body)(ys, pos)


def _ffn_body(off_ref, hi_ref, xs_ref, w1a_ref, w1b_ref, b1_ref, w2a_ref,
              w2b_ref, b2_ref, ys_ref):
    g = pl.program_id(0)

    @pl.when(g == 0)
    def _zero():
        ys_ref[...] = jnp.zeros_like(ys_ref)

    lo = off_ref[0, g]
    hi = hi_ref[0, g]
    t0 = lo // MF
    t1 = lax.select(hi > lo, (hi + MF - 1) // MF, t0)
    FH = F // 2

    def tile_step(t, _):
        row = t * MF
        xt = xs_ref[pl.ds(row, MF), :]
        ha = jnp.maximum(
            jnp.dot(xt, w1a_ref[0], preferred_element_type=jnp.float32)
            + b1_ref[0, :, :FH], 0.0)
        hb = jnp.maximum(
            jnp.dot(xt, w1b_ref[0], preferred_element_type=jnp.float32)
            + b1_ref[0, :, FH:], 0.0)
        y = (jnp.dot(ha, w2a_ref[0], preferred_element_type=jnp.float32)
             + jnp.dot(hb, w2b_ref[0], preferred_element_type=jnp.float32)
             + b2_ref[0])
        gidx = row + lax.broadcasted_iota(jnp.int32, (MF, 1), 0)
        msk = (gidx >= lo) & (gidx < hi)
        ys_ref[pl.ds(row, MF), :] += jnp.where(msk, y, 0.0)
        return 0

    lax.fori_loop(t0, t1, tile_step, 0)


def _ffn(off, hi, xs, W1, b1, W2, b2):
    grid_spec = pltpu.PrefetchScalarGridSpec(
        num_scalar_prefetch=2,
        grid=(E,),
        in_specs=[
            pl.BlockSpec((T, D), lambda g, o, h: (0, 0)),
            pl.BlockSpec((1, D, F // 2), lambda g, o, h: (g, 0, 0)),
            pl.BlockSpec((1, D, F // 2), lambda g, o, h: (g, 0, 1)),
            pl.BlockSpec((1, 1, F), lambda g, o, h: (g, 0, 0)),
            pl.BlockSpec((1, F // 2, D), lambda g, o, h: (g, 0, 0)),
            pl.BlockSpec((1, F // 2, D), lambda g, o, h: (g, 1, 0)),
            pl.BlockSpec((1, 1, D), lambda g, o, h: (g, 0, 0)),
        ],
        out_specs=pl.BlockSpec((T, D), lambda g, o, h: (0, 0)),
    )
    return pl.pallas_call(
        _ffn_body,
        grid_spec=grid_spec,
        out_shape=jax.ShapeDtypeStruct((T, D), jnp.float32),
        compiler_params=pltpu.CompilerParams(
            dimension_semantics=("arbitrary",)),
    )(off, hi, xs, W1, W1, b1.reshape(E, 1, F), W2, W2,
      b2.reshape(E, 1, D))


def kernel(x, Wg, bg, W1, b1, W2, b2):
    B, S, _ = x.shape
    x_flat = x.reshape(T, D)
    pos, off, hi = _gate(x_flat, Wg, bg)
    xs = _dispatch(x_flat, pos)
    ys = _ffn(off, hi, xs, W1, b1, W2, b2)
    out = _combine(ys, pos)
    return out.reshape(B, S, D)

# --- scband reference (transcript-rebuilt; emitter-appended) ---
"""Pipeline reference for scband-mixture-of-experts-75737453297724 (READ-ONLY COPY).

The authoritative reference and input builder live on the scoring server;
editing this copy changes nothing except your own understanding.
"""

import jax, jax.numpy as jnp
import numpy as np

DIM = 768
NUM_EXPERTS = 16
EXPERT_DIM = 2048
TOP_K = 1


def setup_inputs(seed: int = 0) -> dict:
    key = jax.random.key(seed)
    ks = jax.random.split(key, 8)
    x = jax.random.normal(ks[0], (1, 2048, DIM), dtype=jnp.float32)
    Wg = jax.random.normal(ks[1], (DIM, NUM_EXPERTS), dtype=jnp.float32) * 0.02
    bg = jnp.zeros((NUM_EXPERTS,), dtype=jnp.float32)
    W1 = jax.random.normal(ks[2], (NUM_EXPERTS, DIM, EXPERT_DIM), dtype=jnp.float32) * 0.02
    b1 = jnp.zeros((NUM_EXPERTS, EXPERT_DIM), dtype=jnp.float32)
    W2 = jax.random.normal(ks[3], (NUM_EXPERTS, EXPERT_DIM, DIM), dtype=jnp.float32) * 0.02
    b2 = jnp.zeros((NUM_EXPERTS, DIM), dtype=jnp.float32)
    return {"x": x, "Wg": Wg, "bg": bg, "W1": W1, "b1": b1, "W2": W2, "b2": b2}


def reference(x, Wg, bg, W1, b1, W2, b2):
    # Faithful translation of MixtureOfExperts.forward (eval mode: dropout is identity).
    B, S, D = x.shape
    x_flat = x.reshape(-1, D)  # [T, D]
    gate_scores = x_flat @ Wg + bg  # nn.Linear gate
    gate_scores = jax.nn.softmax(gate_scores, axis=-1)
    top_k_scores, top_k_indices = jax.lax.top_k(gate_scores, TOP_K)  # [T, K]
    top_k_scores = top_k_scores / jnp.sum(top_k_scores, axis=-1, keepdims=True)
    # Per-token combine weight for each expert: c[t, e] = sum_k score[t,k] * (idx[t,k]==e).
    # Experts with c==0 contribute nothing, exactly matching the masked torch loop.
    onehot = jax.nn.one_hot(top_k_indices, NUM_EXPERTS, dtype=x_flat.dtype)  # [T, K, E]
    c = jnp.sum(top_k_scores[..., None] * onehot, axis=1)  # [T, E]
    # Expert FFNs: Linear -> ReLU -> (Dropout=identity) -> Linear
    h = jax.nn.relu(jnp.einsum('td,edf->tef', x_flat, W1) + b1[None, :, :])  # [T, E, F]
    y = jnp.einsum('tef,efd->ted', h, W2) + b2[None, :, :]  # [T, E, D]
    output = jnp.sum(c[..., None] * y, axis=1)  # [T, D]
    return output.reshape(B, S, D)

if __name__ == "__main__":
    import jax
    _d = setup_inputs()
    print(jax.jit(kernel)(*tuple(_d.values())))

</pallas_src>

<mosaic_0001>
#map = affine_map<(d0, d1) -> (0, 0)>
#map1 = affine_map<(d0, d1) -> (0)>
module attributes {stable_mosaic.version = 14 : i64} {
  func.func @body(%arg0: i32, %arg1: i32, %arg2: memref<2048x768xf32, #tpu.memory_space<hbm>>, %arg3: memref<2048xi32, #tpu.memory_space<hbm>>, %arg4: memref<2048x768xf32, #tpu.memory_space<hbm>>, %arg5: memref<64xi32, #tpu.memory_space<vmem>>, %arg6: memref<64x768xf32, #tpu.memory_space<vmem>>, %arg7: memref<!tpu.dma_semaphore, #tpu.memory_space<semaphore_mem>>) attributes {dimension_semantics = [#tpu.dimension_semantics<core_parallel>, #tpu.dimension_semantics<subcore_parallel>], iteration_bounds = array<i64: 2, 16>, scalar_prefetch = 0 : i64, scratch_operands = 3 : i64, tpu.core_type = #tpu.core_type<sc_vector_subcore>, window_params = [{transform_indices = #map}, {transform_indices = #map1}, {transform_indices = #map}]} {
    %mul3A = arith.constant 2 : i32
    %mul3A_0 = arith.muli %arg1, %mul3A : i32
    %add3A = arith.addi %mul3A_0, %arg0 : i32
    %mul3A_1 = arith.constant 64 : i32
    %mul3A_2 = arith.muli %add3A, %mul3A_1 : i32
    "tpu.region"() ({
      %run_scoped3A = tpu.sem_alloc : memref<!tpu.dma_semaphore, #tpu.memory_space<semaphore_mem>>
      %dma_start3A_7 = tpu.memref_slice %arg3[%mul3A_2] : memref<2048xi32, #tpu.memory_space<hbm>> -> memref<64xi32, #tpu.memory_space<hbm>>
      %dma_start3A_8 = tpu.memref_slice %arg3[%mul3A_2] : memref<2048xi32, #tpu.memory_space<hbm>> -> memref<64xi32, #tpu.memory_space<hbm>>
      tpu.enqueue_dma source(%dma_start3A_8 : memref<64xi32, #tpu.memory_space<hbm>>) target(%arg5 : memref<64xi32, #tpu.memory_space<vmem>>) target_semaphore(%run_scoped3A : memref<!tpu.dma_semaphore, #tpu.memory_space<semaphore_mem>>)
      %dma_wait3A_9 = tpu.memref_slice %arg3[%mul3A_2] : memref<2048xi32, #tpu.memory_space<hbm>> -> memref<64xi32, #tpu.memory_space<hbm>>
      %dma_wait3A_10 = tpu.memref_slice %arg3[%mul3A_2] : memref<2048xi32, #tpu.memory_space<hbm>> -> memref<64xi32, #tpu.memory_space<hbm>>
      tpu.wait_dma2 semaphore(%run_scoped3A : memref<!tpu.dma_semaphore, #tpu.memory_space<semaphore_mem>>) src(%dma_wait3A_10 : memref<64xi32, #tpu.memory_space<hbm>>) dst(%arg5 : memref<64xi32, #tpu.memory_space<vmem>>)
      tpu.yield
    }) : () -> ()
    %dma_start3A = arith.constant 0 : i32
    %dma_start3A_3 = arith.constant 0 : i32
    %dma_start3A_4 = tpu.memref_slice %arg2[%dma_start3A, %dma_start3A_3] : memref<2048x768xf32, #tpu.memory_space<hbm>> -> memref<2048x768xf32, #tpu.memory_space<hbm>>
    tpu.enqueue_indirect_dma source(%dma_start3A_4 : memref<2048x768xf32, #tpu.memory_space<hbm>>) target(%arg6 : memref<64x768xf32, #tpu.memory_space<vmem>>) offsets(%arg5 : memref<64xi32, #tpu.memory_space<vmem>>) semaphore(%arg7 : memref<!tpu.dma_semaphore, #tpu.memory_space<semaphore_mem>>)
    %dma_wait3A = arith.constant 0 : i32
    %dma_wait3A_5 = arith.constant 0 : i32
    %dma_wait3A_6 = tpu.memref_slice %arg2[%dma_wait3A, %dma_wait3A_5] : memref<2048x768xf32, #tpu.memory_space<hbm>> -> memref<2048x768xf32, #tpu.memory_space<hbm>>
    tpu.wait_indirect_dma semaphore(%arg7 : memref<!tpu.dma_semaphore, #tpu.memory_space<semaphore_mem>>) src(%dma_wait3A_6 : memref<2048x768xf32, #tpu.memory_space<hbm>>) dst(%arg6 : memref<64x768xf32, #tpu.memory_space<vmem>>)
    "tpu.region"() ({
      %run_scoped3A = tpu.sem_alloc : memref<!tpu.dma_semaphore, #tpu.memory_space<semaphore_mem>>
      %dma_start3A_7 = arith.constant 0 : i32
      %dma_start3A_8 = tpu.memref_slice %arg4[%mul3A_2, %dma_start3A_7] : memref<2048x768xf32, #tpu.memory_space<hbm>> -> memref<64x768xf32, #tpu.memory_space<hbm>>
      %dma_start3A_9 = arith.constant 0 : i32
      %dma_start3A_10 = tpu.memref_slice %arg4[%mul3A_2, %dma_start3A_9] : memref<2048x768xf32, #tpu.memory_space<hbm>> -> memref<64x768xf32, #tpu.memory_space<hbm>>
      tpu.enqueue_dma source(%arg6 : memref<64x768xf32, #tpu.memory_space<vmem>>) target(%dma_start3A_10 : memref<64x768xf32, #tpu.memory_space<hbm>>) target_semaphore(%run_scoped3A : memref<!tpu.dma_semaphore, #tpu.memory_space<semaphore_mem>>)
      %dma_wait3A_11 = arith.constant 0 : i32
      %dma_wait3A_12 = tpu.memref_slice %arg4[%mul3A_2, %dma_wait3A_11] : memref<2048x768xf32, #tpu.memory_space<hbm>> -> memref<64x768xf32, #tpu.memory_space<hbm>>
      %dma_wait3A_13 = arith.constant 0 : i32
      %dma_wait3A_14 = tpu.memref_slice %arg4[%mul3A_2, %dma_wait3A_13] : memref<2048x768xf32, #tpu.memory_space<hbm>> -> memref<64x768xf32, #tpu.memory_space<hbm>>
      tpu.wait_dma2 semaphore(%run_scoped3A : memref<!tpu.dma_semaphore, #tpu.memory_space<semaphore_mem>>) src(%arg6 : memref<64x768xf32, #tpu.memory_space<vmem>>) dst(%dma_wait3A_14 : memref<64x768xf32, #tpu.memory_space<hbm>>)
      tpu.yield
    }) : () -> ()
    return
  }
}

#map = affine_map<(d0, d1) -> (0, 0)>
#map1 = affine_map<(d0, d1) -> (0)>
module attributes {stable_mosaic.version = 14 : i64} {
  func.func @body(%arg0: i32, %arg1: i32, %arg2: memref<2048x768xf32, #tpu.memory_space<hbm>>, %arg3: memref<2048xi32, #tpu.memory_space<hbm>>, %arg4: memref<2048x768xf32, #tpu.memory_space<hbm>>, %arg5: memref<64xi32, #tpu.memory_space<vmem>>, %arg6: memref<64x768xf32, #tpu.memory_space<vmem>>, %arg7: memref<!tpu.dma_semaphore, #tpu.memory_space<semaphore_mem>>) attributes {dimension_semantics = [#tpu.dimension_semantics<core_parallel>, #tpu.dimension_semantics<subcore_parallel>], iteration_bounds = array<i64: 2, 16>, scalar_prefetch = 0 : i64, scratch_operands = 3 : i64, tpu.core_type = #tpu.core_type<sc_vector_subcore>, window_params = [{transform_indices = #map}, {transform_indices = #map1}, {transform_indices = #map}]} {
    %mul3A = arith.constant 2 : i32
    %mul3A_0 = arith.muli %arg1, %mul3A : i32
    %add3A = arith.addi %mul3A_0, %arg0 : i32
    %mul3A_1 = arith.constant 64 : i32
    %mul3A_2 = arith.muli %add3A, %mul3A_1 : i32
    "tpu.region"() ({
      %run_scoped3A = tpu.sem_alloc : memref<!tpu.dma_semaphore, #tpu.memory_space<semaphore_mem>>
      %dma_start3A_7 = tpu.memref_slice %arg3[%mul3A_2] : memref<2048xi32, #tpu.memory_space<hbm>> -> memref<64xi32, #tpu.memory_space<hbm>>
      %dma_start3A_8 = tpu.memref_slice %arg3[%mul3A_2] : memref<2048xi32, #tpu.memory_space<hbm>> -> memref<64xi32, #tpu.memory_space<hbm>>
      tpu.enqueue_dma source(%dma_start3A_8 : memref<64xi32, #tpu.memory_space<hbm>>) target(%arg5 : memref<64xi32, #tpu.memory_space<vmem>>) target_semaphore(%run_scoped3A : memref<!tpu.dma_semaphore, #tpu.memory_space<semaphore_mem>>)
      %dma_wait3A_9 = tpu.memref_slice %arg3[%mul3A_2] : memref<2048xi32, #tpu.memory_space<hbm>> -> memref<64xi32, #tpu.memory_space<hbm>>
      %dma_wait3A_10 = tpu.memref_slice %arg3[%mul3A_2] : memref<2048xi32, #tpu.memory_space<hbm>> -> memref<64xi32, #tpu.memory_space<hbm>>
      tpu.wait_dma2 semaphore(%run_scoped3A : memref<!tpu.dma_semaphore, #tpu.memory_space<semaphore_mem>>) src(%dma_wait3A_10 : memref<64xi32, #tpu.memory_space<hbm>>) dst(%arg5 : memref<64xi32, #tpu.memory_space<vmem>>)
      tpu.yield
    }) : () -> ()
    "tpu.region"() ({
      %run_scoped3A = tpu.sem_alloc : memref<!tpu.dma_semaphore, #tpu.memory_space<semaphore_mem>>
      %dma_start3A_7 = arith.constant 0 : i32
      %dma_start3A_8 = tpu.memref_slice %arg2[%mul3A_2, %dma_start3A_7] : memref<2048x768xf32, #tpu.memory_space<hbm>> -> memref<64x768xf32, #tpu.memory_space<hbm>>
      %dma_start3A_9 = arith.constant 0 : i32
      %dma_start3A_10 = tpu.memref_slice %arg2[%mul3A_2, %dma_start3A_9] : memref<2048x768xf32, #tpu.memory_space<hbm>> -> memref<64x768xf32, #tpu.memory_space<hbm>>
      tpu.enqueue_dma source(%dma_start3A_10 : memref<64x768xf32, #tpu.memory_space<hbm>>) target(%arg6 : memref<64x768xf32, #tpu.memory_space<vmem>>) target_semaphore(%run_scoped3A : memref<!tpu.dma_semaphore, #tpu.memory_space<semaphore_mem>>)
      %dma_wait3A_11 = arith.constant 0 : i32
      %dma_wait3A_12 = tpu.memref_slice %arg2[%mul3A_2, %dma_wait3A_11] : memref<2048x768xf32, #tpu.memory_space<hbm>> -> memref<64x768xf32, #tpu.memory_space<hbm>>
      %dma_wait3A_13 = arith.constant 0 : i32
      %dma_wait3A_14 = tpu.memref_slice %arg2[%mul3A_2, %dma_wait3A_13] : memref<2048x768xf32, #tpu.memory_space<hbm>> -> memref<64x768xf32, #tpu.memory_space<hbm>>
      tpu.wait_dma2 semaphore(%run_scoped3A : memref<!tpu.dma_semaphore, #tpu.memory_space<semaphore_mem>>) src(%dma_wait3A_14 : memref<64x768xf32, #tpu.memory_space<hbm>>) dst(%arg6 : memref<64x768xf32, #tpu.memory_space<vmem>>)
      tpu.yield
    }) : () -> ()
    %dma_start3A = arith.constant 0 : i32
    %dma_start3A_3 = arith.constant 0 : i32
    %dma_start3A_4 = tpu.memref_slice %arg4[%dma_start3A, %dma_start3A_3] : memref<2048x768xf32, #tpu.memory_space<hbm>> -> memref<2048x768xf32, #tpu.memory_space<hbm>>
    tpu.enqueue_indirect_dma source(%arg6 : memref<64x768xf32, #tpu.memory_space<vmem>>) target(%dma_start3A_4 : memref<2048x768xf32, #tpu.memory_space<hbm>>) offsets(%arg5 : memref<64xi32, #tpu.memory_space<vmem>>) semaphore(%arg7 : memref<!tpu.dma_semaphore, #tpu.memory_space<semaphore_mem>>)
    %dma_wait3A = arith.constant 0 : i32
    %dma_wait3A_5 = arith.constant 0 : i32
    %dma_wait3A_6 = tpu.memref_slice %arg4[%dma_wait3A, %dma_wait3A_5] : memref<2048x768xf32, #tpu.memory_space<hbm>> -> memref<2048x768xf32, #tpu.memory_space<hbm>>
    tpu.wait_indirect_dma semaphore(%arg7 : memref<!tpu.dma_semaphore, #tpu.memory_space<semaphore_mem>>) src(%arg6 : memref<64x768xf32, #tpu.memory_space<vmem>>) dst(%dma_wait3A_6 : memref<2048x768xf32, #tpu.memory_space<hbm>>)
    return
  }
}

module attributes {stable_mosaic.version = 14 : i64} {
  func.func @_gate_body(%arg0: memref<2048x768xf32, #tpu.memory_space<vmem>>, %arg1: memref<768x16xf32, #tpu.memory_space<vmem>>, %arg2: memref<1x16xf32, #tpu.memory_space<vmem>>, %arg3: memref<2048x1xi32, #tpu.memory_space<vmem>>, %arg4: memref<1x128xi32, #tpu.memory_space<vmem>>, %arg5: memref<1x128xi32, #tpu.memory_space<vmem>>) attributes {dimension_semantics = [], scalar_prefetch = 0 : i64, scratch_operands = 0 : i64, tpu.core_type = #tpu.core_type<tc>} {
    %get3A = arith.constant 0 : index
    %get3A_0 = arith.constant 0 : index
    %get3A_1 = vector.load %arg0[%get3A, %get3A_0] : memref<2048x768xf32, #tpu.memory_space<vmem>>, vector<2048x768xf32>
    %get3A_2 = arith.constant 0 : index
    %get3A_3 = arith.constant 0 : index
    %get3A_4 = vector.load %arg1[%get3A_2, %get3A_3] : memref<768x16xf32, #tpu.memory_space<vmem>>, vector<768x16xf32>
    %dot_general3A = arith.constant dense<0.000000e+00> : vector<2048x16xf32>
    %dot_general3A_5 = tpu.matmul %get3A_1, %get3A_4, %dot_general3A {dimension_numbers = #tpu.dot_dimension_numbers<[1], [0], [0], [1], [0, 0, 1, 1], [], []>, transpose_lhs_hint = false} : vector<2048x768xf32>, vector<768x16xf32>, vector<2048x16xf32> -> vector<2048x16xf32>
    %get3A_6 = arith.constant 0 : index
    %get3A_7 = arith.constant 0 : index
    %get3A_8 = vector.load %arg2[%get3A_6, %get3A_7] : memref<1x16xf32, #tpu.memory_space<vmem>>, vector<1x16xf32>
    %add3A = vector.broadcast %get3A_8 : vector<1x16xf32> to vector<2048x16xf32>
    %add3A_9 = arith.addf %dot_general3A_5, %add3A : vector<2048x16xf32>
    %broadcast_in_dim3A = arith.constant -1.000000e+30 : f32
    %broadcast_in_dim3A_10 = vector.broadcast %broadcast_in_dim3A : f32 to vector<2048x112xf32>
    %concatenate3A = tpu.concatenate %add3A_9, %broadcast_in_dim3A_10 in 1 : vector<2048x16xf32>, vector<2048x112xf32> -> vector<2048x128xf32>
    %iota3A = tpu.iota {dimensions = array<i32: 1>} : vector<2048x128xi32>
    %reduce_max3A = arith.constant dense<0xFF800000> : vector<2048xf32>
    %reduce_max3A_11 = vector.multi_reduction <maximumf>, %concatenate3A, %reduce_max3A [1] : vector<2048x128xf32> to vector<2048xf32>
    %broadcast_in_dim3A_12 = vector.shape_cast %reduce_max3A_11 : vector<2048xf32> to vector<2048x1xf32>
    %eq3A = vector.broadcast %broadcast_in_dim3A_12 : vector<2048x1xf32> to vector<2048x128xf32>
    %eq3A_13 = arith.cmpf oeq, %concatenate3A, %eq3A : vector<2048x128xf32>
    %jit3A = arith.constant 128 : i32
    %broadcast_in_dim3A_14 = vector.broadcast %jit3A : i32 to vector<2048x128xi32>
    %select_n3A = arith.select %eq3A_13, %iota3A, %broadcast_in_dim3A_14 : vector<2048x128xi1>, vector<2048x128xi32>
    %reduce_min3A = arith.constant dense<2147483647> : vector<2048xi32>
    %reduce_min3A_15 = vector.multi_reduction <minsi>, %select_n3A, %reduce_min3A [1] : vector<2048x128xi32> to vector<2048xi32>
    %broadcast_in_dim3A_16 = vector.shape_cast %reduce_min3A_15 : vector<2048xi32> to vector<2048x1xi32>
    %eq3A_17 = vector.broadcast %broadcast_in_dim3A_16 : vector<2048x1xi32> to vector<2048x128xi32>
    %eq3A_18 = arith.cmpi eq, %iota3A, %eq3A_17 : vector<2048x128xi32>
    %convert_element_type3A = arith.extui %eq3A_18 : vector<2048x128xi1> to vector<2048x128xi32>
    %convert_element_type3A_19 = arith.sitofp %convert_element_type3A : vector<2048x128xi32> to vector<2048x128xf32>
    %reduce_sum3A = arith.constant dense<0.000000e+00> : vector<128xf32>
    %reduce_sum3A_20 = vector.multi_reduction <add>, %convert_element_type3A_19, %reduce_sum3A [0] : vector<2048x128xf32> to vector<128xf32>
    %broadcast_in_dim3A_21 = vector.shape_cast %reduce_sum3A_20 : vector<128xf32> to vector<1x128xf32>
    %iota3A_22 = tpu.iota {dimensions = array<i32: 0>} : vector<128x128xi32>
    %iota3A_23 = tpu.iota {dimensions = array<i32: 1>} : vector<128x128xi32>
    %lt3A = arith.cmpi slt, %iota3A_22, %iota3A_23 : vector<128x128xi32>
    %convert_element_type3A_24 = arith.extui %lt3A : vector<128x128xi1> to vector<128x128xi32>
    %convert_element_type3A_25 = arith.sitofp %convert_element_type3A_24 : vector<128x128xi32> to vector<128x128xf32>
    %dot_general3A_26 = arith.constant dense<0.000000e+00> : vector<1x128xf32>
    %dot_general3A_27 = tpu.matmul %broadcast_in_dim3A_21, %convert_element_type3A_25, %dot_general3A_26 {dimension_numbers = #tpu.dot_dimension_numbers<[1], [0], [0], [1], [0, 0, 1, 1], [], []>, transpose_lhs_hint = false} : vector<1x128xf32>, vector<128x128xf32>, vector<1x128xf32> -> vector<1x128xf32>
    %convert_element_type3A_28 = arith.fptosi %dot_general3A_27 : vector<1x128xf32> to vector<1x128xi32>
    %swap3A = arith.constant 0 : index
    %swap3A_29 = arith.constant 0 : index
    %swap3A_30 = vector.load %arg4[%swap3A, %swap3A_29] : memref<1x128xi32, #tpu.memory_space<vmem>>, vector<1x128xi32>
    tpu.vector_store %arg4[%swap3A, %swap3A_29], %convert_element_type3A_28 {strides = array<i32>} : memref<1x128xi32, #tpu.memory_space<vmem>>, vector<1x128xi32>,
    %add3A_31 = arith.addf %dot_general3A_27, %broadcast_in_dim3A_21 : vector<1x128xf32>
    %convert_element_type3A_32 = arith.fptosi %add3A_31 : vector<1x128xf32> to vector<1x128xi32>
    %swap3A_33 = arith.constant 0 : index
    %swap3A_34 = arith.constant 0 : index
    %swap3A_35 = vector.load %arg5[%swap3A_33, %swap3A_34] : memref<1x128xi32, #tpu.memory_space<vmem>>, vector<1x128xi32>
    tpu.vector_store %arg5[%swap3A_33, %swap3A_34], %convert_element_type3A_32 {strides = array<i32>} : memref<1x128xi32, #tpu.memory_space<vmem>>, vector<1x128xi32>,
    %iota3A_36 = tpu.iota {dimensions = array<i32: 0>} : vector<128x128xi32>
    %iota3A_37 = tpu.iota {dimensions = array<i32: 1>} : vector<128x128xi32>
    %le3A = arith.cmpi sle, %iota3A_37, %iota3A_36 : vector<128x128xi32>
    %convert_element_type3A_38 = arith.extui %le3A : vector<128x128xi1> to vector<128x128xi32>
    %convert_element_type3A_39 = arith.sitofp %convert_element_type3A_38 : vector<128x128xi32> to vector<128x128xf32>
    %broadcast_in_dim3A_40 = arith.constant 0.000000e+00 : f32
    %broadcast_in_dim3A_41 = vector.broadcast %broadcast_in_dim3A_40 : f32 to vector<1x128xf32>
    %slice3A = vector.extract_strided_slice %convert_element_type3A_19 {offsets = [0, 0], sizes = [128, 128], strides = [1, 1]} : vector<2048x128xf32> to vector<128x128xf32>
    %dot_general3A_42 = arith.constant dense<0.000000e+00> : vector<128x128xf32>
    %dot_general3A_43 = tpu.matmul %convert_element_type3A_39, %slice3A, %dot_general3A_42 {dimension_numbers = #tpu.dot_dimension_numbers<[1], [0], [0], [1], [0, 0, 1, 1], [], []>, transpose_lhs_hint = false} : vector<128x128xf32>, vector<128x128xf32>, vector<128x128xf32> -> vector<128x128xf32>
    %add3A_44 = vector.broadcast %broadcast_in_dim3A_41 : vector<1x128xf32> to vector<128x128xf32>
    %add3A_45 = arith.addf %dot_general3A_43, %add3A_44 : vector<128x128xf32>
    %mul3A = arith.mulf %add3A_45, %slice3A : vector<128x128xf32>
    %reduce_sum3A_46 = arith.constant dense<0.000000e+00> : vector<128xf32>
    %reduce_sum3A_47 = vector.multi_reduction <add>, %mul3A, %reduce_sum3A_46 [1] : vector<128x128xf32> to vector<128xf32>
    %broadcast_in_dim3A_48 = vector.shape_cast %reduce_sum3A_47 : vector<128xf32> to vector<128x1xf32>
    %sub3A = arith.constant 1.000000e+00 : f32
    %sub3A_49 = vector.broadcast %sub3A : f32 to vector<128x1xf32>
    %sub3A_50 = arith.subf %broadcast_in_dim3A_48, %sub3A_49 : vector<128x1xf32>
    %mul3A_51 = vector.broadcast %dot_general3A_27 : vector<1x128xf32> to vector<128x128xf32>
    %mul3A_52 = arith.mulf %mul3A_51, %slice3A : vector<128x128xf32>
    %reduce_sum3A_53 = arith.constant dense<0.000000e+00> : vector<128xf32>
    %reduce_sum3A_54 = vector.multi_reduction <add>, %mul3A_52, %reduce_sum3A_53 [1] : vector<128x128xf32> to vector<128xf32>
    %broadcast_in_dim3A_55 = vector.shape_cast %reduce_sum3A_54 : vector<128xf32> to vector<128x1xf32>
    %add3A_56 = arith.addf %broadcast_in_dim3A_55, %sub3A_50 : vector<128x1xf32>
    %convert_element_type3A_57 = arith.fptosi %add3A_56 : vector<128x1xf32> to vector<128x1xi32>
    %swap3A_58 = arith.constant 0 : index
    %swap3A_59 = arith.constant 0 : index
    %swap3A_60 = vector.load %arg3[%swap3A_58, %swap3A_59] : memref<2048x1xi32, #tpu.memory_space<vmem>>, vector<128x1xi32>
    tpu.vector_store %arg3[%swap3A_58, %swap3A_59], %convert_element_type3A_57 {strides = array<i32>} : memref<2048x1xi32, #tpu.memory_space<vmem>>, vector<128x1xi32>,
    %reduce_sum3A_61 = arith.constant dense<0.000000e+00> : vector<128xf32>
    %reduce_sum3A_62 = vector.multi_reduction <add>, %slice3A, %reduce_sum3A_61 [0] : vector<128x128xf32> to vector<128xf32>
    %broadcast_in_dim3A_63 = vector.shape_cast %reduce_sum3A_62 : vector<128xf32> to vector<1x128xf32>
    %add3A_64 = arith.addf %broadcast_in_dim3A_41, %broadcast_in_dim3A_63 : vector<1x128xf32>
    %slice3A_65 = vector.extract_strided_slice %convert_element_type3A_19 {offsets = [128, 0], sizes = [128, 128], strides = [1, 1]} : vector<2048x128xf32> to vector<128x128xf32>
    %dot_general3A_66 = arith.constant dense<0.000000e+00> : vector<128x128xf32>
    %dot_general3A_67 = tpu.matmul %convert_element_type3A_39, %slice3A_65, %dot_general3A_66 {dimension_numbers = #tpu.dot_dimension_numbers<[1], [0], [0], [1], [0, 0, 1, 1], [], []>, transpose_lhs_hint = false} : vector<128x128xf32>, vector<128x128xf32>, vector<128x128xf32> -> vector<128x128xf32>
    %add3A_68 = vector.broadcast %add3A_64 : vector<1x128xf32> to vector<128x128xf32>
    %add3A_69 = arith.addf %dot_general3A_67, %add3A_68 : vector<128x128xf32>
    %mul3A_70 = arith.mulf %add3A_69, %slice3A_65 : vector<128x128xf32>
    %reduce_sum3A_71 = arith.constant dense<0.000000e+00> : vector<128xf32>
    %reduce_sum3A_72 = vector.multi_reduction <add>, %mul3A_70, %reduce_sum3A_71 [1] : vector<128x128xf32> to vector<128xf32>
    %broadcast_in_dim3A_73 = vector.shape_cast %reduce_sum3A_72 : vector<128xf32> to vector<128x1xf32>
    %sub3A_74 = arith.constant 1.000000e+00 : f32
    %sub3A_75 = vector.broadcast %sub3A_74 : f32 to vector<128x1xf32>
    %sub3A_76 = arith.subf %broadcast_in_dim3A_73, %sub3A_75 : vector<128x1xf32>
    %mul3A_77 = vector.broadcast %dot_general3A_27 : vector<1x128xf32> to vector<128x128xf32>
    %mul3A_78 = arith.mulf %mul3A_77, %slice3A_65 : vector<128x128xf32>
    %reduce_sum3A_79 = arith.constant dense<0.000000e+00> : vector<128xf32>
    %reduce_sum3A_80 = vector.multi_reduction <add>, %mul3A_78, %reduce_sum3A_79 [1] : vector<128x128xf32> to vector<128xf32>
    %broadcast_in_dim3A_81 = vector.shape_cast %reduce_sum3A_80 : vector<128xf32> to vector<128x1xf32>
    %add3A_82 = arith.addf %broadcast_in_dim3A_81, %sub3A_76 : vector<128x1xf32>
    %convert_element_type3A_83 = arith.fptosi %add3A_82 : vector<128x1xf32> to vector<128x1xi32>
    %swap3A_84 = arith.constant 128 : index
    %swap3A_85 = arith.constant 0 : index
    %swap3A_86 = vector.load %arg3[%swap3A_84, %swap3A_85] : memref<2048x1xi32, #tpu.memory_space<vmem>>, vector<128x1xi32>
    tpu.vector_store %arg3[%swap3A_84, %swap3A_85], %convert_element_type3A_83 {strides = array<i32>} : memref<2048x1xi32, #tpu.memory_space<vmem>>, vector<128x1xi32>,
    %reduce_sum3A_87 = arith.constant dense<0.000000e+00> : vector<128xf32>
    %reduce_sum3A_88 = vector.multi_reduction <add>, %slice3A_65, %reduce_sum3A_87 [0] : vector<128x128xf32> to vector<128xf32>
    %broadcast_in_dim3A_89 = vector.shape_cast %reduce_sum3A_88 : vector<128xf32> to vector<1x128xf32>
    %add3A_90 = arith.addf %add3A_64, %broadcast_in_dim3A_89 : vector<1x128xf32>
    %slice3A_91 = vector.extract_strided_slice %convert_element_type3A_19 {offsets = [256, 0], sizes = [128, 128], strides = [1, 1]} : vector<2048x128xf32> to vector<128x128xf32>
    %dot_general3A_92 = arith.constant dense<0.000000e+00> : vector<128x128xf32>
    %dot_general3A_93 = tpu.matmul %convert_element_type3A_39, %slice3A_91, %dot_general3A_92 {dimension_numbers = #tpu.dot_dimension_numbers<[1], [0], [0], [1], [0, 0, 1, 1], [], []>, transpose_lhs_hint = false} : vector<128x128xf32>, vector<128x128xf32>, vector<128x128xf32> -> vector<128x128xf32>
    %add3A_94 = vector.broadcast %add3A_90 : vector<1x128xf32> to vector<128x128xf32>
    %add3A_95 = arith.addf %dot_general3A_93, %add3A_94 : vector<128x128xf32>
    %mul3A_96 = arith.mulf %add3A_95, %slice3A_91 : vector<128x128xf32>
    %reduce_sum3A_97 = arith.constant dense<0.000000e+00> : vector<128xf32>
    %reduce_sum3A_98 = vector.multi_reduction <add>, %mul3A_96, %reduce_sum3A_97 [1] : vector<128x128xf32> to vector<128xf32>
    %broadcast_in_dim3A_99 = vector.shape_cast %reduce_sum3A_98 : vector<128xf32> to vector<128x1xf32>
    %sub3A_100 = arith.constant 1.000000e+00 : f32
    %sub3A_101 = vector.broadcast %sub3A_100 : f32 to vector<128x1xf32>
    %sub3A_102 = arith.subf %broadcast_in_dim3A_99, %sub3A_101 : vector<128x1xf32>
    %mul3A_103 = vector.broadcast %dot_general3A_27 : vector<1x128xf32> to vector<128x128xf32>
    %mul3A_104 = arith.mulf %mul3A_103, %slice3A_91 : vector<128x128xf32>
    %reduce_sum3A_105 = arith.constant dense<0.000000e+00> : vector<128xf32>
    %reduce_sum3A_106 = vector.multi_reduction <add>, %mul3A_104, %reduce_sum3A_105 [1] : vector<128x128xf32> to vector<128xf32>
    %broadcast_in_dim3A_107 = vector.shape_cast %reduce_sum3A_106 : vector<128xf32> to vector<128x1xf32>
    %add3A_108 = arith.addf %broadcast_in_dim3A_107, %sub3A_102 : vector<128x1xf32>
    %convert_element_type3A_109 = arith.fptosi %add3A_108 : vector<128x1xf32> to vector<128x1xi32>
    %swap3A_110 = arith.constant 256 : index
    %swap3A_111 = arith.constant 0 : index
    %swap3A_112 = vector.load %arg3[%swap3A_110, %swap3A_111] : memref<2048x1xi32, #tpu.memory_space<vmem>>, vector<128x1xi32>
    tpu.vector_store %arg3[%swap3A_110, %swap3A_111], %convert_element_type3A_109 {strides = array<i32>} : memref<2048x1xi32, #tpu.memory_space<vmem>>, vector<128x1xi32>,
    %reduce_sum3A_113 = arith.constant dense<0.000000e+00> : vector<128xf32>
    %reduce_sum3A_114 = vector.multi_reduction <add>, %slice3A_91, %reduce_sum3A_113 [0] : vector<128x128xf32> to vector<128xf32>
    %broadcast_in_dim3A_115 = vector.shape_cast %reduce_sum3A_114 : vector<128xf32> to vector<1x128xf32>
    %add3A_116 = arith.addf %add3A_90, %broadcast_in_dim3A_115 : vector<1x128xf32>
    %slice3A_117 = vector.extract_strided_slice %convert_element_type3A_19 {offsets = [384, 0], sizes = [128, 128], strides = [1, 1]} : vector<2048x128xf32> to vector<128x128xf32>
    %dot_general3A_118 = arith.constant dense<0.000000e+00> : vector<128x128xf32>
    %dot_general3A_119 = tpu.matmul %convert_element_type3A_39, %slice3A_117, %dot_general3A_118 {dimension_numbers = #tpu.dot_dimension_numbers<[1], [0], [0], [1], [0, 0, 1, 1], [], []>, transpose_lhs_hint = false} : vector<128x128xf32>, vector<128x128xf32>, vector<128x128xf32> -> vector<128x128xf32>
    %add3A_120 = vector.broadcast %add3A_116 : vector<1x128xf32> to vector<128x128xf32>
    %add3A_121 = arith.addf %dot_general3A_119, %add3A_120 : vector<128x128xf32>
    %mul3A_122 = arith.mulf %add3A_121, %slice3A_117 : vector<128x128xf32>
    %reduce_sum3A_123 = arith.constant dense<0.000000e+00> : vector<128xf32>
    %reduce_sum3A_124 = vector.multi_reduction <add>, %mul3A_122, %reduce_sum3A_123 [1] : vector<128x128xf32> to vector<128xf32>
    %broadcast_in_dim3A_125 = vector.shape_cast %reduce_sum3A_124 : vector<128xf32> to vector<128x1xf32>
    %sub3A_126 = arith.constant 1.000000e+00 : f32
    %sub3A_127 = vector.broadcast %sub3A_126 : f32 to vector<128x1xf32>
    %sub3A_128 = arith.subf %broadcast_in_dim3A_125, %sub3A_127 : vector<128x1xf32>
    %mul3A_129 = vector.broadcast %dot_general3A_27 : vector<1x128xf32> to vector<128x128xf32>
    %mul3A_130 = arith.mulf %mul3A_129, %slice3A_117 : vector<128x128xf32>
    %reduce_sum3A_131 = arith.constant dense<0.000000e+00> : vector<128xf32>
    %reduce_sum3A_132 = vector.multi_reduction <add>, %mul3A_130, %reduce_sum3A_131 [1] : vector<128x128xf32> to vector<128xf32>
    %broadcast_in_dim3A_133 = vector.shape_cast %reduce_sum3A_132 : vector<128xf32> to vector<128x1xf32>
    %add3A_134 = arith.addf %broadcast_in_dim3A_133, %sub3A_128 : vector<128x1xf32>
    %convert_element_type3A_135 = arith.fptosi %add3A_134 : vector<128x1xf32> to vector<128x1xi32>
    %swap3A_136 = arith.constant 384 : index
    %swap3A_137 = arith.constant 0 : index
    %swap3A_138 = vector.load %arg3[%swap3A_136, %swap3A_137] : memref<2048x1xi32, #tpu.memory_space<vmem>>, vector<128x1xi32>
    tpu.vector_store %arg3[%swap3A_136, %swap3A_137], %convert_element_type3A_135 {strides = array<i32>} : memref<2048x1xi32, #tpu.memory_space<vmem>>, vector<128x1xi32>,
    %reduce_sum3A_139 = arith.constant dense<0.000000e+00> : vector<128xf32>
    %reduce_sum3A_140 = vector.multi_reduction <add>, %slice3A_117, %reduce_sum3A_139 [0] : vector<128x128xf32> to vector<128xf32>
    %broadcast_in_dim3A_141 = vector.shape_cast %reduce_sum3A_140 : vector<128xf32> to vector<1x128xf32>
    %add3A_142 = arith.addf %add3A_116, %broadcast_in_dim3A_141 : vector<1x128xf32>
    %slice3A_143 = vector.extract_strided_slice %convert_element_type3A_19 {offsets = [512, 0], sizes = [128, 128], strides = [1, 1]} : vector<2048x128xf32> to vector<128x128xf32>
    %dot_general3A_144 = arith.constant dense<0.000000e+00> : vector<128x128xf32>
    %dot_general3A_145 = tpu.matmul %convert_element_type3A_39, %slice3A_143, %dot_general3A_144 {dimension_numbers = #tpu.dot_dimension_numbers<[1], [0], [0], [1], [0, 0, 1, 1], [], []>, transpose_lhs_hint = false} : vector<128x128xf32>, vector<128x128xf32>, vector<128x128xf32> -> vector<128x128xf32>
    %add3A_146 = vector.broadcast %add3A_142 : vector<1x128xf32> to vector<128x128xf32>
    %add3A_147 = arith.addf %dot_general3A_145, %add3A_146 : vector<128x128xf32>
    %mul3A_148 = arith.mulf %add3A_147, %slice3A_143 : vector<128x128xf32>
    %reduce_sum3A_149 = arith.constant dense<0.000000e+00> : vector<128xf32>
    %reduce_sum3A_150 = vector.multi_reduction <add>, %mul3A_148, %reduce_sum3A_149 [1] : vector<128x128xf32> to vector<128xf32>
    %broadcast_in_dim3A_151 = vector.shape_cast %reduce_sum3A_150 : vector<128xf32> to vector<128x1xf32>
    %sub3A_152 = arith.constant 1.000000e+00 : f32
    %sub3A_153 = vector.broadcast %sub3A_152 : f32 to vector<128x1xf32>
    %sub3A_154 = arith.subf %broadcast_in_dim3A_151, %sub3A_153 : vector<128x1xf32>
    %mul3A_155 = vector.broadcast %dot_general3A_27 : vector<1x128xf32> to vector<128x128xf32>
    %mul3A_156 = arith.mulf %mul3A_155, %slice3A_143 : vector<128x128xf32>
    %reduce_sum3A_157 = arith.constant dense<0.000000e+00> : vector<128xf32>
    %reduce_sum3A_158 = vector.multi_reduction <add>, %mul3A_156, %reduce_sum3A_157 [1] : vector<128x128xf32> to vector<128xf32>
    %broadcast_in_dim3A_159 = vector.shape_cast %reduce_sum3A_158 : vector<128xf32> to vector<128x1xf32>
    %add3A_160 = arith.addf %broadcast_in_dim3A_159, %sub3A_154 : vector<128x1xf32>
    %convert_element_type3A_161 = arith.fptosi %add3A_160 : vector<128x1xf32> to vector<128x1xi32>
    %swap3A_162 = arith.constant 512 : index
    %swap3A_163 = arith.constant 0 : index
    %swap3A_164 = vector.load %arg3[%swap3A_162, %swap3A_163] : memref<2048x1xi32, #tpu.memory_space<vmem>>, vector<128x1xi32>
    tpu.vector_store %arg3[%swap3A_162, %swap3A_163], %convert_element_type3A_161 {strides = array<i32>} : memref<2048x1xi32, #tpu.memory_space<vmem>>, vector<128x1xi32>,
    %reduce_sum3A_165 = arith.constant dense<0.000000e+00> : vector<128xf32>
    %reduce_sum3A_166 = vector.multi_reduction <add>, %slice3A_143, %reduce_sum3A_165 [0] : vector<128x128xf32> to vector<128xf32>
    %broadcast_in_dim3A_167 = vector.shape_cast %reduce_sum3A_166 : vector<128xf32> to vector<1x128xf32>
    %add3A_168 = arith.addf %add3A_142, %broadcast_in_dim3A_167 : vector<1x128xf32>
    %slice3A_169 = vector.extract_strided_slice %convert_element_type3A_19 {offsets = [640, 0], sizes = [128, 128], strides = [1, 1]} : vector<2048x128xf32> to vector<128x128xf32>
    %dot_general3A_170 = arith.constant dense<0.000000e+00> : vector<128x128xf32>
    %dot_general3A_171 = tpu.matmul %convert_element_type3A_39, %slice3A_169, %dot_general3A_170 {dimension_numbers = #tpu.dot_dimension_numbers<[1], [0], [0], [1], [0, 0, 1, 1], [], []>, transpose_lhs_hint = false} : vector<128x128xf32>, vector<128x128xf32>, vector<128x128xf32> -> vector<128x128xf32>
    %add3A_172 = vector.broadcast %add3A_168 : vector<1x128xf32> to vector<128x128xf32>
    %add3A_173 = arith.addf %dot_general3A_171, %add3A_172 : vector<128x128xf32>
    %mul3A_174 = arith.mulf %add3A_173, %slice3A_169 : vector<128x128xf32>
    %reduce_sum3A_175 = arith.constant dense<0.000000e+00> : vector<128xf32>
    %reduce_sum3A_176 = vector.multi_reduction <add>, %mul3A_174, %reduce_sum3A_175 [1] : vector<128x128xf32> to vector<128xf32>
    %broadcast_in_dim3A_177 = vector.shape_cast %reduce_sum3A_176 : vector<128xf32> to vector<128x1xf32>
    %sub3A_178 = arith.constant 1.000000e+00 : f32
    %sub3A_179 = vector.broadcast %sub3A_178 : f32 to vector<128x1xf32>
    %sub3A_180 = arith.subf %broadcast_in_dim3A_177, %sub3A_179 : vector<128x1xf32>
    %mul3A_181 = vector.broadcast %dot_general3A_27 : vector<1x128xf32> to vector<128x128xf32>
    %mul3A_182 = arith.mulf %mul3A_181, %slice3A_169 : vector<128x128xf32>
    %reduce_sum3A_183 = arith.constant dense<0.000000e+00> : vector<128xf32>
    %reduce_sum3A_184 = vector.multi_reduction <add>, %mul3A_182, %reduce_sum3A_183 [1] : vector<128x128xf32> to vector<128xf32>
    %broadcast_in_dim3A_185 = vector.shape_cast %reduce_sum3A_184 : vector<128xf32> to vector<128x1xf32>
    %add3A_186 = arith.addf %broadcast_in_dim3A_185, %sub3A_180 : vector<128x1xf32>
    %convert_element_type3A_187 = arith.fptosi %add3A_186 : vector<128x1xf32> to vector<128x1xi32>
    %swap3A_188 = arith.constant 640 : index
    %swap3A_189 = arith.constant 0 : index
    %swap3A_190 = vector.load %arg3[%swap3A_188, %swap3A_189] : memref<2048x1xi32, #tpu.memory_space<vmem>>, vector<128x1xi32>
    tpu.vector_store %arg3[%swap3A_188, %swap3A_189], %convert_element_type3A_187 {strides = array<i32>} : memref<2048x1xi32, #tpu.memory_space<vmem>>, vector<128x1xi32>,
    %reduce_sum3A_191 = arith.constant dense<0.000000e+00> : vector<128xf32>
    %reduce_sum3A_192 = vector.multi_reduction <add>, %slice3A_169, %reduce_sum3A_191 [0] : vector<128x128xf32> to vector<128xf32>
    %broadcast_in_dim3A_193 = vector.shape_cast %reduce_sum3A_192 : vector<128xf32> to vector<1x128xf32>
    %add3A_194 = arith.addf %add3A_168, %broadcast_in_dim3A_193 : vector<1x128xf32>
    %slice3A_195 = vector.extract_strided_slice %convert_element_type3A_19 {offsets = [768, 0], sizes = [128, 128], strides = [1, 1]} : vector<2048x128xf32> to vector<128x128xf32>
    %dot_general3A_196 = arith.constant dense<0.000000e+00> : vector<128x128xf32>
    %dot_general3A_197 = tpu.matmul %convert_element_type3A_39, %slice3A_195, %dot_general3A_196 {dimension_numbers = #tpu.dot_dimension_numbers<[1], [0], [0], [1], [0, 0, 1, 1], [], []>, transpose_lhs_hint = false} : vector<128x128xf32>, vector<128x128xf32>, vector<128x128xf32> -> vector<128x128xf32>
    %add3A_198 = vector.broadcast %add3A_194 : vector<1x128xf32> to vector<128x128xf32>
    %add3A_199 = arith.addf %dot_general3A_197, %add3A_198 : vector<128x128xf32>
    %mul3A_200 = arith.mulf %add3A_199, %slice3A_195 : vector<128x128xf32>
    %reduce_sum3A_201 = arith.constant dense<0.000000e+00> : vector<128xf32>
    %reduce_sum3A_202 = vector.multi_reduction <add>, %mul3A_200, %reduce_sum3A_201 [1] : vector<128x128xf32> to vector<128xf32>
    %broadcast_in_dim3A_203 = vector.shape_cast %reduce_sum3A_202 : vector<128xf32> to vector<128x1xf32>
    %sub3A_204 = arith.constant 1.000000e+00 : f32
    %sub3A_205 = vector.broadcast %sub3A_204 : f32 to vector<128x1xf32>
    %sub3A_206 = arith.subf %broadcast_in_dim3A_203, %sub3A_205 : vector<128x1xf32>
    %mul3A_207 = vector.broadcast %dot_general3A_27 : vector<1x128xf32> to vector<128x128xf32>
    %mul3A_208 = arith.mulf %mul3A_207, %slice3A_195 : vector<128x128xf32>
    %reduce_sum3A_209 = arith.constant dense<0.000000e+00> : vector<128xf32>
    %reduce_sum3A_210 = vector.multi_reduction <add>, %mul3A_208, %reduce_sum3A_209 [1] : vector<128x128xf32> to vector<128xf32>
    %broadcast_in_dim3A_211 = vector.shape_cast %reduce_sum3A_210 : vector<128xf32> to vector<128x1xf32>
    %add3A_212 = arith.addf %broadcast_in_dim3A_211, %sub3A_206 : vector<128x1xf32>
    %convert_element_type3A_213 = arith.fptosi %add3A_212 : vector<128x1xf32> to vector<128x1xi32>
    %swap3A_214 = arith.constant 768 : index
    %swap3A_215 = arith.constant 0 : index
    %swap3A_216 = vector.load %arg3[%swap3A_214, %swap3A_215] : memref<2048x1xi32, #tpu.memory_space<vmem>>, vector<128x1xi32>
    tpu.vector_store %arg3[%swap3A_214, %swap3A_215], %convert_element_type3A_213 {strides = array<i32>} : memref<2048x1xi32, #tpu.memory_space<vmem>>, vector<128x1xi32>,
    %reduce_sum3A_217 = arith.constant dense<0.000000e+00> : vector<128xf32>
    %reduce_sum3A_218 = vector.multi_reduction <add>, %slice3A_195, %reduce_sum3A_217 [0] : vector<128x128xf32> to vector<128xf32>
    %broadcast_in_dim3A_219 = vector.shape_cast %reduce_sum3A_218 : vector<128xf32> to vector<1x128xf32>
    %add3A_220 = arith.addf %add3A_194, %broadcast_in_dim3A_219 : vector<1x128xf32>
    %slice3A_221 = vector.extract_strided_slice %convert_element_type3A_19 {offsets = [896, 0], sizes = [128, 128], strides = [1, 1]} : vector<2048x128xf32> to vector<128x128xf32>
    %dot_general3A_222 = arith.constant dense<0.000000e+00> : vector<128x128xf32>
    %dot_general3A_223 = tpu.matmul %convert_element_type3A_39, %slice3A_221, %dot_general3A_222 {dimension_numbers = #tpu.dot_dimension_numbers<[1], [0], [0], [1], [0, 0, 1, 1], [], []>, transpose_lhs_hint = false} : vector<128x128xf32>, vector<128x128xf32>, vector<128x128xf32> -> vector<128x128xf32>
    %add3A_224 = vector.broadcast %add3A_220 : vector<1x128xf32> to vector<128x128xf32>
    %add3A_225 = arith.addf %dot_general3A_223, %add3A_224 : vector<128x128xf32>
    %mul3A_226 = arith.mulf %add3A_225, %slice3A_221 : vector<128x128xf32>
    %reduce_sum3A_227 = arith.constant dense<0.000000e+00> : vector<128xf32>
    %reduce_sum3A_228 = vector.multi_reduction <add>, %mul3A_226, %reduce_sum3A_227 [1] : vector<128x128xf32> to vector<128xf32>
    %broadcast_in_dim3A_229 = vector.shape_cast %reduce_sum3A_228 : vector<128xf32> to vector<128x1xf32>
    %sub3A_230 = arith.constant 1.000000e+00 : f32
    %sub3A_231 = vector.broadcast %sub3A_230 : f32 to vector<128x1xf32>
    %sub3A_232 = arith.subf %broadcast_in_dim3A_229, %sub3A_231 : vector<128x1xf32>
    %mul3A_233 = vector.broadcast %dot_general3A_27 : vector<1x128xf32> to vector<128x128xf32>
    %mul3A_234 = arith.mulf %mul3A_233, %slice3A_221 : vector<128x128xf32>
    %reduce_sum3A_235 = arith.constant dense<0.000000e+00> : vector<128xf32>
    %reduce_sum3A_236 = vector.multi_reduction <add>, %mul3A_234, %reduce_sum3A_235 [1] : vector<128x128xf32> to vector<128xf32>
    %broadcast_in_dim3A_237 = vector.shape_cast %reduce_sum3A_236 : vector<128xf32> to vector<128x1xf32>
    %add3A_238 = arith.addf %broadcast_in_dim3A_237, %sub3A_232 : vector<128x1xf32>
    %convert_element_type3A_239 = arith.fptosi %add3A_238 : vector<128x1xf32> to vector<128x1xi32>
    %swap3A_240 = arith.constant 896 : index
    %swap3A_241 = arith.constant 0 : index
    %swap3A_242 = vector.load %arg3[%swap3A_240, %swap3A_241] : memref<2048x1xi32, #tpu.memory_space<vmem>>, vector<128x1xi32>
    tpu.vector_store %arg3[%swap3A_240, %swap3A_241], %convert_element_type3A_239 {strides = array<i32>} : memref<2048x1xi32, #tpu.memory_space<vmem>>, vector<128x1xi32>,
    %reduce_sum3A_243 = arith.constant dense<0.000000e+00> : vector<128xf32>
    %reduce_sum3A_244 = vector.multi_reduction <add>, %slice3A_221, %reduce_sum3A_243 [0] : vector<128x128xf32> to vector<128xf32>
    %broadcast_in_dim3A_245 = vector.shape_cast %reduce_sum3A_244 : vector<128xf32> to vector<1x128xf32>
    %add3A_246 = arith.addf %add3A_220, %broadcast_in_dim3A_245 : vector<1x128xf32>
    %slice3A_247 = vector.extract_strided_slice %convert_element_type3A_19 {offsets = [1024, 0], sizes = [128, 128], strides = [1, 1]} : vector<2048x128xf32> to vector<128x128xf32>
    %dot_general3A_248 = arith.constant dense<0.000000e+00> : vector<128x128xf32>
    %dot_general3A_249 = tpu.matmul %convert_element_type3A_39, %slice3A_247, %dot_general3A_248 {dimension_numbers = #tpu.dot_dimension_numbers<[1], [0], [0], [1], [0, 0, 1, 1], [], []>, transpose_lhs_hint = false} : vector<128x128xf32>, vector<128x128xf32>, vector<128x128xf32> -> vector<128x128xf32>
    %add3A_250 = vector.broadcast %add3A_246 : vector<1x128xf32> to vector<128x128xf32>
    %add3A_251 = arith.addf %dot_general3A_249, %add3A_250 : vector<128x128xf32>
    %mul3A_252 = arith.mulf %add3A_251, %slice3A_247 : vector<128x128xf32>
    %reduce_sum3A_253 = arith.constant dense<0.000000e+00> : vector<128xf32>
    %reduce_sum3A_254 = vector.multi_reduction <add>, %mul3A_252, %reduce_sum3A_253 [1] : vector<128x128xf32> to vector<128xf32>
    %broadcast_in_dim3A_255 = vector.shape_cast %reduce_sum3A_254 : vector<128xf32> to vector<128x1xf32>
    %sub3A_256 = arith.constant 1.000000e+00 : f32
    %sub3A_257 = vector.broadcast %sub3A_256 : f32 to vector<128x1xf32>
    %sub3A_258 = arith.subf %broadcast_in_dim3A_255, %sub3A_257 : vector<128x1xf32>
    %mul3A_259 = vector.broadcast %dot_general3A_27 : vector<1x128xf32> to vector<128x128xf32>
    %mul3A_260 = arith.mulf %mul3A_259, %slice3A_247 : vector<128x128xf32>
    %reduce_sum3A_261 = arith.constant dense<0.000000e+00> : vector<128xf32>
    %reduce_sum3A_262 = vector.multi_reduction <add>, %mul3A_260, %reduce_sum3A_261 [1] : vector<128x128xf32> to vector<128xf32>
    %broadcast_in_dim3A_263 = vector.shape_cast %reduce_sum3A_262 : vector<128xf32> to vector<128x1xf32>
    %add3A_264 = arith.addf %broadcast_in_dim3A_263, %sub3A_258 : vector<128x1xf32>
    %convert_element_type3A_265 = arith.fptosi %add3A_264 : vector<128x1xf32> to vector<128x1xi32>
    %swap3A_266 = arith.constant 1024 : index
    %swap3A_267 = arith.constant 0 : index
    %swap3A_268 = vector.load %arg3[%swap3A_266, %swap3A_267] : memref<2048x1xi32, #tpu.memory_space<vmem>>, vector<128x1xi32>
    tpu.vector_store %arg3[%swap3A_266, %swap3A_267], %convert_element_type3A_265 {strides = array<i32>} : memref<2048x1xi32, #tpu.memory_space<vmem>>, vector<128x1xi32>,
    %reduce_sum3A_269 = arith.constant dense<0.000000e+00> : vector<128xf32>
    %reduce_sum3A_270 = vector.multi_reduction <add>, %slice3A_247, %reduce_sum3A_269 [0] : vector<128x128xf32> to vector<128xf32>
    %broadcast_in_dim3A_271 = vector.shape_cast %reduce_sum3A_270 : vector<128xf32> to vector<1x128xf32>
    %add3A_272 = arith.addf %add3A_246, %broadcast_in_dim3A_271 : vector<1x128xf32>
    %slice3A_273 = vector.extract_strided_slice %convert_element_type3A_19 {offsets = [1152, 0], sizes = [128, 128], strides = [1, 1]} : vector<2048x128xf32> to vector<128x128xf32>
    %dot_general3A_274 = arith.constant dense<0.000000e+00> : vector<128x128xf32>
    %dot_general3A_275 = tpu.matmul %convert_element_type3A_39, %slice3A_273, %dot_general3A_274 {dimension_numbers = #tpu.dot_dimension_numbers<[1], [0], [0], [1], [0, 0, 1, 1], [], []>, transpose_lhs_hint = false} : vector<128x128xf32>, vector<128x128xf32>, vector<128x128xf32> -> vector<128x128xf32>
    %add3A_276 = vector.broadcast %add3A_272 : vector<1x128xf32> to vector<128x128xf32>
    %add3A_277 = arith.addf %dot_general3A_275, %add3A_276 : vector<128x128xf32>
    %mul3A_278 = arith.mulf %add3A_277, %slice3A_273 : vector<128x128xf32>
    %reduce_sum3A_279 = arith.constant dense<0.000000e+00> : vector<128xf32>
    %reduce_sum3A_280 = vector.multi_reduction <add>, %mul3A_278, %reduce_sum3A_279 [1] : vector<128x128xf32> to vector<128xf32>
    %broadcast_in_dim3A_281 = vector.shape_cast %reduce_sum3A_280 : vector<128xf32> to vector<128x1xf32>
    %sub3A_282 = arith.constant 1.000000e+00 : f32
    %sub3A_283 = vector.broadcast %sub3A_282 : f32 to vector<128x1xf32>
    %sub3A_284 = arith.subf %broadcast_in_dim3A_281, %sub3A_283 : vector<128x1xf32>
    %mul3A_285 = vector.broadcast %dot_general3A_27 : vector<1x128xf32> to vector<128x128xf32>
    %mul3A_286 = arith.mulf %mul3A_285, %slice3A_273 : vector<128x128xf32>
    %reduce_sum3A_287 = arith.constant dense<0.000000e+00> : vector<128xf32>
    %reduce_sum3A_288 = vector.multi_reduction <add>, %mul3A_286, %reduce_sum3A_287 [1] : vector<128x128xf32> to vector<128xf32>
    %broadcast_in_dim3A_289 = vector.shape_cast %reduce_sum3A_288 : vector<128xf32> to vector<128x1xf32>
    %add3A_290 = arith.addf %broadcast_in_dim3A_289, %sub3A_284 : vector<128x1xf32>
    %convert_element_type3A_291 = arith.fptosi %add3A_290 : vector<128x1xf32> to vector<128x1xi32>
    %swap3A_292 = arith.constant 1152 : index
    %swap3A_293 = arith.constant 0 : index
    %swap3A_294 = vector.load %arg3[%swap3A_292, %swap3A_293] : memref<2048x1xi32, #tpu.memory_space<vmem>>, vector<128x1xi32>
    tpu.vector_store %arg3[%swap3A_292, %swap3A_293], %convert_element_type3A_291 {strides = array<i32>} : memref<2048x1xi32, #tpu.memory_space<vmem>>, vector<128x1xi32>,
    %reduce_sum3A_295 = arith.constant dense<0.000000e+00> : vector<128xf32>
    %reduce_sum3A_296 = vector.multi_reduction <add>, %slice3A_273, %reduce_sum3A_295 [0] : vector<128x128xf32> to vector<128xf32>
    %broadcast_in_dim3A_297 = vector.shape_cast %reduce_sum3A_296 : vector<128xf32> to vector<1x128xf32>
    %add3A_298 = arith.addf %add3A_272, %broadcast_in_dim3A_297 : vector<1x128xf32>
    %slice3A_299 = vector.extract_strided_slice %convert_element_type3A_19 {offsets = [1280, 0], sizes = [128, 128], strides = [1, 1]} : vector<2048x128xf32> to vector<128x128xf32>
    %dot_general3A_300 = arith.constant dense<0.000000e+00> : vector<128x128xf32>
    %dot_general3A_301 = tpu.matmul %convert_element_type3A_39, %slice3A_299, %dot_general3A_300 {dimension_numbers = #tpu.dot_dimension_numbers<[1], [0], [0], [1], [0, 0, 1, 1], [], []>, transpose_lhs_hint = false} : vector<128x128xf32>, vector<128x128xf32>, vector<128x128xf32> -> vector<128x128xf32>
    %add3A_302 = vector.broadcast %add3A_298 : vector<1x128xf32> to vector<128x128xf32>
    %add3A_303 = arith.addf %dot_general3A_301, %add3A_302 : vector<128x128xf32>
    %mul3A_304 = arith.mulf %add3A_303, %slice3A_299 : vector<128x128xf32>
    %reduce_sum3A_305 = arith.constant dense<0.000000e+00> : vector<128xf32>
    %reduce_sum3A_306 = vector.multi_reduction <add>, %mul3A_304, %reduce_sum3A_305 [1] : vector<128x128xf32> to vector<128xf32>
    %broadcast_in_dim3A_307 = vector.shape_cast %reduce_sum3A_306 : vector<128xf32> to vector<128x1xf32>
    %sub3A_308 = arith.constant 1.000000e+00 : f32
    %sub3A_309 = vector.broadcast %sub3A_308 : f32 to vector<128x1xf32>
    %sub3A_310 = arith.subf %broadcast_in_dim3A_307, %sub3A_309 : vector<128x1xf32>
    %mul3A_311 = vector.broadcast %dot_general3A_27 : vector<1x128xf32> to vector<128x128xf32>
    %mul3A_312 = arith.mulf %mul3A_311, %slice3A_299 : vector<128x128xf32>
    %reduce_sum3A_313 = arith.constant dense<0.000000e+00> : vector<128xf32>
    %reduce_sum3A_314 = vector.multi_reduction <add>, %mul3A_312, %reduce_sum3A_313 [1] : vector<128x128xf32> to vector<128xf32>
    %broadcast_in_dim3A_315 = vector.shape_cast %reduce_sum3A_314 : vector<128xf32> to vector<128x1xf32>
    %add3A_316 = arith.addf %broadcast_in_dim3A_315, %sub3A_310 : vector<128x1xf32>
    %convert_element_type3A_317 = arith.fptosi %add3A_316 : vector<128x1xf32> to vector<128x1xi32>
    %swap3A_318 = arith.constant 1280 : index
    %swap3A_319 = arith.constant 0 : index
    %swap3A_320 = vector.load %arg3[%swap3A_318, %swap3A_319] : memref<2048x1xi32, #tpu.memory_space<vmem>>, vector<128x1xi32>
    tpu.vector_store %arg3[%swap3A_318, %swap3A_319], %convert_element_type3A_317 {strides = array<i32>} : memref<2048x1xi32, #tpu.memory_space<vmem>>, vector<128x1xi32>,
    %reduce_sum3A_321 = arith.constant dense<0.000000e+00> : vector<128xf32>
    %reduce_sum3A_322 = vector.multi_reduction <add>, %slice3A_299, %reduce_sum3A_321 [0] : vector<128x128xf32> to vector<128xf32>
    %broadcast_in_dim3A_323 = vector.shape_cast %reduce_sum3A_322 : vector<128xf32> to vector<1x128xf32>
    %add3A_324 = arith.addf %add3A_298, %broadcast_in_dim3A_323 : vector<1x128xf32>
    %slice3A_325 = vector.extract_strided_slice %convert_element_type3A_19 {offsets = [1408, 0], sizes = [128, 128], strides = [1, 1]} : vector<2048x128xf32> to vector<128x128xf32>
    %dot_general3A_326 = arith.constant dense<0.000000e+00> : vector<128x128xf32>
    %dot_general3A_327 = tpu.matmul %convert_element_type3A_39, %slice3A_325, %dot_general3A_326 {dimension_numbers = #tpu.dot_dimension_numbers<[1], [0], [0], [1], [0, 0, 1, 1], [], []>, transpose_lhs_hint = false} : vector<128x128xf32>, vector<128x128xf32>, vector<128x128xf32> -> vector<128x128xf32>
    %add3A_328 = vector.broadcast %add3A_324 : vector<1x128xf32> to vector<128x128xf32>
    %add3A_329 = arith.addf %dot_general3A_327, %add3A_328 : vector<128x128xf32>
    %mul3A_330 = arith.mulf %add3A_329, %slice3A_325 : vector<128x128xf32>
    %reduce_sum3A_331 = arith.constant dense<0.000000e+00> : vector<128xf32>
    %reduce_sum3A_332 = vector.multi_reduction <add>, %mul3A_330, %reduce_sum3A_331 [1] : vector<128x128xf32> to vector<128xf32>
    %broadcast_in_dim3A_333 = vector.shape_cast %reduce_sum3A_332 : vector<128xf32> to vector<128x1xf32>
    %sub3A_334 = arith.constant 1.000000e+00 : f32
    %sub3A_335 = vector.broadcast %sub3A_334 : f32 to vector<128x1xf32>
    %sub3A_336 = arith.subf %broadcast_in_dim3A_333, %sub3A_335 : vector<128x1xf32>
    %mul3A_337 = vector.broadcast %dot_general3A_27 : vector<1x128xf32> to vector<128x128xf32>
    %mul3A_338 = arith.mulf %mul3A_337, %slice3A_325 : vector<128x128xf32>
    %reduce_sum3A_339 = arith.constant dense<0.000000e+00> : vector<128xf32>
    %reduce_sum3A_340 = vector.multi_reduction <add>, %mul3A_338, %reduce_sum3A_339 [1] : vector<128x128xf32> to vector<128xf32>
    %broadcast_in_dim3A_341 = vector.shape_cast %reduce_sum3A_340 : vector<128xf32> to vector<128x1xf32>
    %add3A_342 = arith.addf %broadcast_in_dim3A_341, %sub3A_336 : vector<128x1xf32>
    %convert_element_type3A_343 = arith.fptosi %add3A_342 : vector<128x1xf32> to vector<128x1xi32>
    %swap3A_344 = arith.constant 1408 : index
    %swap3A_345 = arith.constant 0 : index
    %swap3A_346 = vector.load %arg3[%swap3A_344, %swap3A_345] : memref<2048x1xi32, #tpu.memory_space<vmem>>, vector<128x1xi32>
    tpu.vector_store %arg3[%swap3A_344, %swap3A_345], %convert_element_type3A_343 {strides = array<i32>} : memref<2048x1xi32, #tpu.memory_space<vmem>>, vector<128x1xi32>,
    %reduce_sum3A_347 = arith.constant dense<0.000000e+00> : vector<128xf32>
    %reduce_sum3A_348 = vector.multi_reduction <add>, %slice3A_325, %reduce_sum3A_347 [0] : vector<128x128xf32> to vector<128xf32>
    %broadcast_in_dim3A_349 = vector.shape_cast %reduce_sum3A_348 : vector<128xf32> to vector<1x128xf32>
    %add3A_350 = arith.addf %add3A_324, %broadcast_in_dim3A_349 : vector<1x128xf32>
    %slice3A_351 = vector.extract_strided_slice %convert_element_type3A_19 {offsets = [1536, 0], sizes = [128, 128], strides = [1, 1]} : vector<2048x128xf32> to vector<128x128xf32>
    %dot_general3A_352 = arith.constant dense<0.000000e+00> : vector<128x128xf32>
    %dot_general3A_353 = tpu.matmul %convert_element_type3A_39, %slice3A_351, %dot_general3A_352 {dimension_numbers = #tpu.dot_dimension_numbers<[1], [0], [0], [1], [0, 0, 1, 1], [], []>, transpose_lhs_hint = false} : vector<128x128xf32>, vector<128x128xf32>, vector<128x128xf32> -> vector<128x128xf32>
    %add3A_354 = vector.broadcast %add3A_350 : vector<1x128xf32> to vector<128x128xf32>
    %add3A_355 = arith.addf %dot_general3A_353, %add3A_354 : vector<128x128xf32>
    %mul3A_356 = arith.mulf %add3A_355, %slice3A_351 : vector<128x128xf32>
    %reduce_sum3A_357 = arith.constant dense<0.000000e+00> : vector<128xf32>
    %reduce_sum3A_358 = vector.multi_reduction <add>, %mul3A_356, %reduce_sum3A_357 [1] : vector<128x128xf32> to vector<128xf32>
    %broadcast_in_dim3A_359 = vector.shape_cast %reduce_sum3A_358 : vector<128xf32> to vector<128x1xf32>
    %sub3A_360 = arith.constant 1.000000e+00 : f32
    %sub3A_361 = vector.broadcast %sub3A_360 : f32 to vector<128x1xf32>
    %sub3A_362 = arith.subf %broadcast_in_dim3A_359, %sub3A_361 : vector<128x1xf32>
    %mul3A_363 = vector.broadcast %dot_general3A_27 : vector<1x128xf32> to vector<128x128xf32>
    %mul3A_364 = arith.mulf %mul3A_363, %slice3A_351 : vector<128x128xf32>
    %reduce_sum3A_365 = arith.constant dense<0.000000e+00> : vector<128xf32>
    %reduce_sum3A_366 = vector.multi_reduction <add>, %mul3A_364, %reduce_sum3A_365 [1] : vector<128x128xf32> to vector<128xf32>
    %broadcast_in_dim3A_367 = vector.shape_cast %reduce_sum3A_366 : vector<128xf32> to vector<128x1xf32>
    %add3A_368 = arith.addf %broadcast_in_dim3A_367, %sub3A_362 : vector<128x1xf32>
    %convert_element_type3A_369 = arith.fptosi %add3A_368 : vector<128x1xf32> to vector<128x1xi32>
    %swap3A_370 = arith.constant 1536 : index
    %swap3A_371 = arith.constant 0 : index
    %swap3A_372 = vector.load %arg3[%swap3A_370, %swap3A_371] : memref<2048x1xi32, #tpu.memory_space<vmem>>, vector<128x1xi32>
    tpu.vector_store %arg3[%swap3A_370, %swap3A_371], %convert_element_type3A_369 {strides = array<i32>} : memref<2048x1xi32, #tpu.memory_space<vmem>>, vector<128x1xi32>,
    %reduce_sum3A_373 = arith.constant dense<0.000000e+00> : vector<128xf32>
    %reduce_sum3A_374 = vector.multi_reduction <add>, %slice3A_351, %reduce_sum3A_373 [0] : vector<128x128xf32> to vector<128xf32>
    %broadcast_in_dim3A_375 = vector.shape_cast %reduce_sum3A_374 : vector<128xf32> to vector<1x128xf32>
    %add3A_376 = arith.addf %add3A_350, %broadcast_in_dim3A_375 : vector<1x128xf32>
    %slice3A_377 = vector.extract_strided_slice %convert_element_type3A_19 {offsets = [1664, 0], sizes = [128, 128], strides = [1, 1]} : vector<2048x128xf32> to vector<128x128xf32>
    %dot_general3A_378 = arith.constant dense<0.000000e+00> : vector<128x128xf32>
    %dot_general3A_379 = tpu.matmul %convert_element_type3A_39, %slice3A_377, %dot_general3A_378 {dimension_numbers = #tpu.dot_dimension_numbers<[1], [0], [0], [1], [0, 0, 1, 1], [], []>, transpose_lhs_hint = false} : vector<128x128xf32>, vector<128x128xf32>, vector<128x128xf32> -> vector<128x128xf32>
    %add3A_380 = vector.broadcast %add3A_376 : vector<1x128xf32> to vector<128x128xf32>
    %add3A_381 = arith.addf %dot_general3A_379, %add3A_380 : vector<128x128xf32>
    %mul3A_382 = arith.mulf %add3A_381, %slice3A_377 : vector<128x128xf32>
    %reduce_sum3A_383 = arith.constant dense<0.000000e+00> : vector<128xf32>
    %reduce_sum3A_384 = vector.multi_reduction <add>, %mul3A_382, %reduce_sum3A_383 [1] : vector<128x128xf32> to vector<128xf32>
    %broadcast_in_dim3A_385 = vector.shape_cast %reduce_sum3A_384 : vector<128xf32> to vector<128x1xf32>
    %sub3A_386 = arith.constant 1.000000e+00 : f32
    %sub3A_387 = vector.broadcast %sub3A_386 : f32 to vector<128x1xf32>
    %sub3A_388 = arith.subf %broadcast_in_dim3A_385, %sub3A_387 : vector<128x1xf32>
    %mul3A_389 = vector.broadcast %dot_general3A_27 : vector<1x128xf32> to vector<128x128xf32>
    %mul3A_390 = arith.mulf %mul3A_389, %slice3A_377 : vector<128x128xf32>
    %reduce_sum3A_391 = arith.constant dense<0.000000e+00> : vector<128xf32>
    %reduce_sum3A_392 = vector.multi_reduction <add>, %mul3A_390, %reduce_sum3A_391 [1] : vector<128x128xf32> to vector<128xf32>
    %broadcast_in_dim3A_393 = vector.shape_cast %reduce_sum3A_392 : vector<128xf32> to vector<128x1xf32>
    %add3A_394 = arith.addf %broadcast_in_dim3A_393, %sub3A_388 : vector<128x1xf32>
    %convert_element_type3A_395 = arith.fptosi %add3A_394 : vector<128x1xf32> to vector<128x1xi32>
    %swap3A_396 = arith.constant 1664 : index
    %swap3A_397 = arith.constant 0 : index
    %swap3A_398 = vector.load %arg3[%swap3A_396, %swap3A_397] : memref<2048x1xi32, #tpu.memory_space<vmem>>, vector<128x1xi32>
    tpu.vector_store %arg3[%swap3A_396, %swap3A_397], %convert_element_type3A_395 {strides = array<i32>} : memref<2048x1xi32, #tpu.memory_space<vmem>>, vector<128x1xi32>,
    %reduce_sum3A_399 = arith.constant dense<0.000000e+00> : vector<128xf32>
    %reduce_sum3A_400 = vector.multi_reduction <add>, %slice3A_377, %reduce_sum3A_399 [0] : vector<128x128xf32> to vector<128xf32>
    %broadcast_in_dim3A_401 = vector.shape_cast %reduce_sum3A_400 : vector<128xf32> to vector<1x128xf32>
    %add3A_402 = arith.addf %add3A_376, %broadcast_in_dim3A_401 : vector<1x128xf32>
    %slice3A_403 = vector.extract_strided_slice %convert_element_type3A_19 {offsets = [1792, 0], sizes = [128, 128], strides = [1, 1]} : vector<2048x128xf32> to vector<128x128xf32>
    %dot_general3A_404 = arith.constant dense<0.000000e+00> : vector<128x128xf32>
    %dot_general3A_405 = tpu.matmul %convert_element_type3A_39, %slice3A_403, %dot_general3A_404 {dimension_numbers = #tpu.dot_dimension_numbers<[1], [0], [0], [1], [0, 0, 1, 1], [], []>, transpose_lhs_hint = false} : vector<128x128xf32>, vector<128x128xf32>, vector<128x128xf32> -> vector<128x128xf32>
    %add3A_406 = vector.broadcast %add3A_402 : vector<1x128xf32> to vector<128x128xf32>
    %add3A_407 = arith.addf %dot_general3A_405, %add3A_406 : vector<128x128xf32>
    %mul3A_408 = arith.mulf %add3A_407, %slice3A_403 : vector<128x128xf32>
    %reduce_sum3A_409 = arith.constant dense<0.000000e+00> : vector<128xf32>
    %reduce_sum3A_410 = vector.multi_reduction <add>, %mul3A_408, %reduce_sum3A_409 [1] : vector<128x128xf32> to vector<128xf32>
    %broadcast_in_dim3A_411 = vector.shape_cast %reduce_sum3A_410 : vector<128xf32> to vector<128x1xf32>
    %sub3A_412 = arith.constant 1.000000e+00 : f32
    %sub3A_413 = vector.broadcast %sub3A_412 : f32 to vector<128x1xf32>
    %sub3A_414 = arith.subf %broadcast_in_dim3A_411, %sub3A_413 : vector<128x1xf32>
    %mul3A_415 = vector.broadcast %dot_general3A_27 : vector<1x128xf32> to vector<128x128xf32>
    %mul3A_416 = arith.mulf %mul3A_415, %slice3A_403 : vector<128x128xf32>
    %reduce_sum3A_417 = arith.constant dense<0.000000e+00> : vector<128xf32>
    %reduce_sum3A_418 = vector.multi_reduction <add>, %mul3A_416, %reduce_sum3A_417 [1] : vector<128x128xf32> to vector<128xf32>
    %broadcast_in_dim3A_419 = vector.shape_cast %reduce_sum3A_418 : vector<128xf32> to vector<128x1xf32>
    %add3A_420 = arith.addf %broadcast_in_dim3A_419, %sub3A_414 : vector<128x1xf32>
    %convert_element_type3A_421 = arith.fptosi %add3A_420 : vector<128x1xf32> to vector<128x1xi32>
    %swap3A_422 = arith.constant 1792 : index
    %swap3A_423 = arith.constant 0 : index
    %swap3A_424 = vector.load %arg3[%swap3A_422, %swap3A_423] : memref<2048x1xi32, #tpu.memory_space<vmem>>, vector<128x1xi32>
    tpu.vector_store %arg3[%swap3A_422, %swap3A_423], %convert_element_type3A_421 {strides = array<i32>} : memref<2048x1xi32, #tpu.memory_space<vmem>>, vector<128x1xi32>,
    %reduce_sum3A_425 = arith.constant dense<0.000000e+00> : vector<128xf32>
    %reduce_sum3A_426 = vector.multi_reduction <add>, %slice3A_403, %reduce_sum3A_425 [0] : vector<128x128xf32> to vector<128xf32>
    %broadcast_in_dim3A_427 = vector.shape_cast %reduce_sum3A_426 : vector<128xf32> to vector<1x128xf32>
    %add3A_428 = arith.addf %add3A_402, %broadcast_in_dim3A_427 : vector<1x128xf32>
    %slice3A_429 = vector.extract_strided_slice %convert_element_type3A_19 {offsets = [1920, 0], sizes = [128, 128], strides = [1, 1]} : vector<2048x128xf32> to vector<128x128xf32>
    %dot_general3A_430 = arith.constant dense<0.000000e+00> : vector<128x128xf32>
    %dot_general3A_431 = tpu.matmul %convert_element_type3A_39, %slice3A_429, %dot_general3A_430 {dimension_numbers = #tpu.dot_dimension_numbers<[1], [0], [0], [1], [0, 0, 1, 1], [], []>, transpose_lhs_hint = false} : vector<128x128xf32>, vector<128x128xf32>, vector<128x128xf32> -> vector<128x128xf32>
    %add3A_432 = vector.broadcast %add3A_428 : vector<1x128xf32> to vector<128x128xf32>
    %add3A_433 = arith.addf %dot_general3A_431, %add3A_432 : vector<128x128xf32>
    %mul3A_434 = arith.mulf %add3A_433, %slice3A_429 : vector<128x128xf32>
    %reduce_sum3A_435 = arith.constant dense<0.000000e+00> : vector<128xf32>
    %reduce_sum3A_436 = vector.multi_reduction <add>, %mul3A_434, %reduce_sum3A_435 [1] : vector<128x128xf32> to vector<128xf32>
    %broadcast_in_dim3A_437 = vector.shape_cast %reduce_sum3A_436 : vector<128xf32> to vector<128x1xf32>
    %sub3A_438 = arith.constant 1.000000e+00 : f32
    %sub3A_439 = vector.broadcast %sub3A_438 : f32 to vector<128x1xf32>
    %sub3A_440 = arith.subf %broadcast_in_dim3A_437, %sub3A_439 : vector<128x1xf32>
    %mul3A_441 = vector.broadcast %dot_general3A_27 : vector<1x128xf32> to vector<128x128xf32>
    %mul3A_442 = arith.mulf %mul3A_441, %slice3A_429 : vector<128x128xf32>
    %reduce_sum3A_443 = arith.constant dense<0.000000e+00> : vector<128xf32>
    %reduce_sum3A_444 = vector.multi_reduction <add>, %mul3A_442, %reduce_sum3A_443 [1] : vector<128x128xf32> to vector<128xf32>
    %broadcast_in_dim3A_445 = vector.shape_cast %reduce_sum3A_444 : vector<128xf32> to vector<128x1xf32>
    %add3A_446 = arith.addf %broadcast_in_dim3A_445, %sub3A_440 : vector<128x1xf32>
    %convert_element_type3A_447 = arith.fptosi %add3A_446 : vector<128x1xf32> to vector<128x1xi32>
    %swap3A_448 = arith.constant 1920 : index
    %swap3A_449 = arith.constant 0 : index
    %swap3A_450 = vector.load %arg3[%swap3A_448, %swap3A_449] : memref<2048x1xi32, #tpu.memory_space<vmem>>, vector<128x1xi32>
    tpu.vector_store %arg3[%swap3A_448, %swap3A_449], %convert_element_type3A_447 {strides = array<i32>} : memref<2048x1xi32, #tpu.memory_space<vmem>>, vector<128x1xi32>,
    return
  }
}

module attributes {stable_mosaic.version = 14 : i64} {
  func.func @_ffn_body(%arg0: i32, %arg1: memref<1x128xi32, #tpu.memory_space<smem>>, %arg2: memref<1x128xi32, #tpu.memory_space<smem>>, %arg3: memref<2048x768xf32, #tpu.memory_space<vmem>>, %arg4: memref<1x768x1024xf32, #tpu.memory_space<vmem>>, %arg5: memref<1x768x1024xf32, #tpu.memory_space<vmem>>, %arg6: memref<1x1x2048xf32, #tpu.memory_space<vmem>>, %arg7: memref<1x1024x768xf32, #tpu.memory_space<vmem>>, %arg8: memref<1x1024x768xf32, #tpu.memory_space<vmem>>, %arg9: memref<1x1x768xf32, #tpu.memory_space<vmem>>, %arg10: memref<2048x768xf32, #tpu.memory_space<vmem>>) attributes {dimension_semantics = [#tpu.dimension_semantics<arbitrary>], iteration_bounds = array<i64: 16>, scalar_prefetch = 2 : i64, scratch_operands = 0 : i64, tpu.core_type = #tpu.core_type<tc>, window_params = [{pipeline_mode = #tpu.pipeline_mode<synchronous>, transform_indices = @transform_0, window_bounds = array<i64: 2048, 768>}, {transform_indices = @transform_1, window_bounds = array<i64: 1, 768, 1024>}, {transform_indices = @transform_2, window_bounds = array<i64: 1, 768, 1024>}, {transform_indices = @transform_3, window_bounds = array<i64: 1, 1, 2048>}, {transform_indices = @transform_4, window_bounds = array<i64: 1, 1024, 768>}, {transform_indices = @transform_5, window_bounds = array<i64: 1, 1024, 768>}, {transform_indices = @transform_6, window_bounds = array<i64: 1, 1, 768>}, {pipeline_mode = #tpu.pipeline_mode<synchronous>, transform_indices = @transform_7, window_bounds = array<i64: 2048, 768>}]} {
    %eq3A = arith.constant 0 : i32
    %eq3A_0 = arith.cmpi eq, %arg0, %eq3A : i32
    %convert_element_type3A = arith.extui %eq3A_0 : i1 to i32
    %cond3A = arith.constant 0 : i32
    %cond3A_1 = arith.cmpi ne, %convert_element_type3A, %cond3A : i32
    scf.if %cond3A_1 {
      %broadcast_in_dim3A = arith.constant 0.000000e+00 : f32
      %broadcast_in_dim3A_61 = vector.broadcast %broadcast_in_dim3A : f32 to vector<2048x768xf32>
      %swap3A = arith.constant 0 : index
      %swap3A_62 = arith.constant 0 : index
      %swap3A_63 = vector.load %arg10[%swap3A, %swap3A_62] : memref<2048x768xf32, #tpu.memory_space<vmem>>, vector<2048x768xf32>
      tpu.vector_store %arg10[%swap3A, %swap3A_62], %broadcast_in_dim3A_61 {strides = array<i32>} : memref<2048x768xf32, #tpu.memory_space<vmem>>, vector<2048x768xf32>,
    } else {
    }
    %get3A = arith.constant 0 : index
    %get3A_2 = arith.index_cast %arg0 : i32 to index
    %get3A_3 = memref.load %arg1[%get3A, %get3A_2] : memref<1x128xi32, #tpu.memory_space<smem>>
    %get3A_4 = arith.constant 0 : index
    %get3A_5 = arith.index_cast %arg0 : i32 to index
    %get3A_6 = memref.load %arg2[%get3A_4, %get3A_5] : memref<1x128xi32, #tpu.memory_space<smem>>
    %jit3A = arith.constant 128 : i32
    %div3A = arith.divsi %get3A_3, %jit3A : i32
    %sign3A = arith.constant 0 : i32
    %sign3A_7 = arith.cmpi sgt, %get3A_3, %sign3A : i32
    %sign3A_8 = arith.extui %sign3A_7 : i1 to i32
    %sign3A_9 = arith.constant 0 : i32
    %sign3A_10 = arith.cmpi slt, %get3A_3, %sign3A_9 : i32
    %sign3A_11 = arith.extui %sign3A_10 : i1 to i32
    %sign3A_12 = arith.subi %sign3A_8, %sign3A_11 : i32
    %sign3A_13 = arith.constant 0 : i32
    %sign3A_14 = arith.cmpi sgt, %jit3A, %sign3A_13 : i32
    %sign3A_15 = arith.extui %sign3A_14 : i1 to i32
    %sign3A_16 = arith.constant 0 : i32
    %sign3A_17 = arith.cmpi slt, %jit3A, %sign3A_16 : i32
    %sign3A_18 = arith.extui %sign3A_17 : i1 to i32
    %sign3A_19 = arith.subi %sign3A_15, %sign3A_18 : i32
    %ne3A = arith.cmpi ne, %sign3A_12, %sign3A_19 : i32
    %rem3A = arith.remsi %get3A_3, %jit3A : i32
    %ne3A_20 = arith.constant 0 : i32
    %ne3A_21 = arith.cmpi ne, %rem3A, %ne3A_20 : i32
    %and3A = arith.andi %ne3A, %ne3A_21 : i1
    %sub3A = arith.constant 1 : i32
    %sub3A_22 = arith.subi %div3A, %sub3A : i32
    %select_n3A = arith.select %and3A, %sub3A_22, %div3A : i32
    %gt3A = arith.cmpi sgt, %get3A_6, %get3A_3 : i32
    %add3A = arith.constant 128 : i32
    %add3A_23 = arith.addi %get3A_6, %add3A : i32
    %sub3A_24 = arith.constant 1 : i32
    %sub3A_25 = arith.subi %add3A_23, %sub3A_24 : i32
    %jit3A_26 = arith.constant 128 : i32
    %div3A_27 = arith.divsi %sub3A_25, %jit3A_26 : i32
    %sign3A_28 = arith.constant 0 : i32
    %sign3A_29 = arith.cmpi sgt, %sub3A_25, %sign3A_28 : i32
    %sign3A_30 = arith.extui %sign3A_29 : i1 to i32
    %sign3A_31 = arith.constant 0 : i32
    %sign3A_32 = arith.cmpi slt, %sub3A_25, %sign3A_31 : i32
    %sign3A_33 = arith.extui %sign3A_32 : i1 to i32
    %sign3A_34 = arith.subi %sign3A_30, %sign3A_33 : i32
    %sign3A_35 = arith.constant 0 : i32
    %sign3A_36 = arith.cmpi sgt, %jit3A_26, %sign3A_35 : i32
    %sign3A_37 = arith.extui %sign3A_36 : i1 to i32
    %sign3A_38 = arith.constant 0 : i32
    %sign3A_39 = arith.cmpi slt, %jit3A_26, %sign3A_38 : i32
    %sign3A_40 = arith.extui %sign3A_39 : i1 to i32
    %sign3A_41 = arith.subi %sign3A_37, %sign3A_40 : i32
    %ne3A_42 = arith.cmpi ne, %sign3A_34, %sign3A_41 : i32
    %rem3A_43 = arith.remsi %sub3A_25, %jit3A_26 : i32
    %ne3A_44 = arith.constant 0 : i32
    %ne3A_45 = arith.cmpi ne, %rem3A_43, %ne3A_44 : i32
    %and3A_46 = arith.andi %ne3A_42, %ne3A_45 : i1
    %sub3A_47 = arith.constant 1 : i32
    %sub3A_48 = arith.subi %div3A_27, %sub3A_47 : i32
    %select_n3A_49 = arith.select %and3A_46, %sub3A_48, %div3A_27 : i32
    %select_n3A_50 = arith.select %gt3A, %select_n3A_49, %select_n3A : i32
    %while3A = arith.constant 0 : i32
    %while3A_51 = arith.subi %select_n3A_50, %select_n3A : i32
    %while3A_52 = arith.addi %select_n3A, %while3A_51 : i32
    %while3A_53 = arith.constant 1 : i32
    %while3A_54 = arith.divsi %while3A_51, %while3A_53 : i32
    %while3A_55 = arith.muli %while3A_54, %while3A_53 : i32
    %while3A_56 = arith.addi %select_n3A, %while3A_55 : i32
    %while3A_57 = arith.constant 1 : i32
    %while3A_58 = scf.for %while3A_61 = %select_n3A to %while3A_56 step %while3A_57 iter_args(%while3A_62 = %while3A) -> (i32)  : i32 {
      %mul3A = arith.constant 128 : i32
      %mul3A_63 = arith.muli %while3A_61, %mul3A : i32
      %get3A_64 = arith.index_cast %mul3A_63 : i32 to index
      %get3A_65 = arith.constant 0 : index
      %get3A_66 = vector.load %arg3[%get3A_64, %get3A_65] : memref<2048x768xf32, #tpu.memory_space<vmem>>, vector<128x768xf32>
      %get3A_67 = arith.constant 0 : index
      %get3A_68 = arith.constant 0 : index
      %get3A_69 = arith.constant 0 : index
      %get3A_70 = vector.load %arg4[%get3A_67, %get3A_68, %get3A_69] : memref<1x768x1024xf32, #tpu.memory_space<vmem>>, vector<1x768x1024xf32>
      %get3A_71 = vector.shape_cast %get3A_70 : vector<1x768x1024xf32> to vector<768x1024xf32>
      %dot_general3A = arith.constant dense<0.000000e+00> : vector<128x1024xf32>
      %dot_general3A_72 = tpu.matmul %get3A_66, %get3A_71, %dot_general3A {dimension_numbers = #tpu.dot_dimension_numbers<[1], [0], [0], [1], [0, 0, 1, 1], [], []>, transpose_lhs_hint = false} : vector<128x768xf32>, vector<768x1024xf32>, vector<128x1024xf32> -> vector<128x1024xf32>
      %get3A_73 = arith.constant 0 : index
      %get3A_74 = arith.constant 0 : index
      %get3A_75 = arith.constant 0 : index
      %get3A_76 = vector.load %arg6[%get3A_73, %get3A_74, %get3A_75] : memref<1x1x2048xf32, #tpu.memory_space<vmem>>, vector<1x1x1024xf32>
      %get3A_77 = vector.shape_cast %get3A_76 : vector<1x1x1024xf32> to vector<1x1024xf32>
      %add3A_78 = vector.broadcast %get3A_77 : vector<1x1024xf32> to vector<128x1024xf32>
      %add3A_79 = arith.addf %dot_general3A_72, %add3A_78 : vector<128x1024xf32>
      %max3A = arith.constant 0.000000e+00 : f32
      %max3A_80 = vector.broadcast %max3A : f32 to vector<128x1024xf32>
      %max3A_81 = arith.maximumf %add3A_79, %max3A_80 : vector<128x1024xf32>
      %get3A_82 = arith.constant 0 : index
      %get3A_83 = arith.constant 0 : index
      %get3A_84 = arith.constant 0 : index
      %get3A_85 = vector.load %arg5[%get3A_82, %get3A_83, %get3A_84] : memref<1x768x1024xf32, #tpu.memory_space<vmem>>, vector<1x768x1024xf32>
      %get3A_86 = vector.shape_cast %get3A_85 : vector<1x768x1024xf32> to vector<768x1024xf32>
      %dot_general3A_87 = arith.constant dense<0.000000e+00> : vector<128x1024xf32>
      %dot_general3A_88 = tpu.matmul %get3A_66, %get3A_86, %dot_general3A_87 {dimension_numbers = #tpu.dot_dimension_numbers<[1], [0], [0], [1], [0, 0, 1, 1], [], []>, transpose_lhs_hint = false} : vector<128x768xf32>, vector<768x1024xf32>, vector<128x1024xf32> -> vector<128x1024xf32>
      %get3A_89 = arith.constant 0 : index
      %get3A_90 = arith.constant 0 : index
      %get3A_91 = arith.constant 1024 : index
      %get3A_92 = vector.load %arg6[%get3A_89, %get3A_90, %get3A_91] : memref<1x1x2048xf32, #tpu.memory_space<vmem>>, vector<1x1x1024xf32>
      %get3A_93 = vector.shape_cast %get3A_92 : vector<1x1x1024xf32> to vector<1x1024xf32>
      %add3A_94 = vector.broadcast %get3A_93 : vector<1x1024xf32> to vector<128x1024xf32>
      %add3A_95 = arith.addf %dot_general3A_88, %add3A_94 : vector<128x1024xf32>
      %max3A_96 = arith.constant 0.000000e+00 : f32
      %max3A_97 = vector.broadcast %max3A_96 : f32 to vector<128x1024xf32>
      %max3A_98 = arith.maximumf %add3A_95, %max3A_97 : vector<128x1024xf32>
      %get3A_99 = arith.constant 0 : index
      %get3A_100 = arith.constant 0 : index
      %get3A_101 = arith.constant 0 : index
      %get3A_102 = vector.load %arg7[%get3A_99, %get3A_100, %get3A_101] : memref<1x1024x768xf32, #tpu.memory_space<vmem>>, vector<1x1024x768xf32>
      %get3A_103 = vector.shape_cast %get3A_102 : vector<1x1024x768xf32> to vector<1024x768xf32>
      %dot_general3A_104 = arith.constant dense<0.000000e+00> : vector<128x768xf32>
      %dot_general3A_105 = tpu.matmul %max3A_81, %get3A_103, %dot_general3A_104 {dimension_numbers = #tpu.dot_dimension_numbers<[1], [0], [0], [1], [0, 0, 1, 1], [], []>, transpose_lhs_hint = false} : vector<128x1024xf32>, vector<1024x768xf32>, vector<128x768xf32> -> vector<128x768xf32>
      %get3A_106 = arith.constant 0 : index
      %get3A_107 = arith.constant 0 : index
      %get3A_108 = arith.constant 0 : index
      %get3A_109 = vector.load %arg8[%get3A_106, %get3A_107, %get3A_108] : memref<1x1024x768xf32, #tpu.memory_space<vmem>>, vector<1x1024x768xf32>
      %get3A_110 = vector.shape_cast %get3A_109 : vector<1x1024x768xf32> to vector<1024x768xf32>
      %dot_general3A_111 = arith.constant dense<0.000000e+00> : vector<128x768xf32>
      %dot_general3A_112 = tpu.matmul %max3A_98, %get3A_110, %dot_general3A_111 {dimension_numbers = #tpu.dot_dimension_numbers<[1], [0], [0], [1], [0, 0, 1, 1], [], []>, transpose_lhs_hint = false} : vector<128x1024xf32>, vector<1024x768xf32>, vector<128x768xf32> -> vector<128x768xf32>
      %add3A_113 = arith.addf %dot_general3A_105, %dot_general3A_112 : vector<128x768xf32>
      %get3A_114 = arith.constant 0 : index
      %get3A_115 = arith.constant 0 : index
      %get3A_116 = arith.constant 0 : index
      %get3A_117 = vector.load %arg9[%get3A_114, %get3A_115, %get3A_116] : memref<1x1x768xf32, #tpu.memory_space<vmem>>, vector<1x1x768xf32>
      %get3A_118 = vector.shape_cast %get3A_117 : vector<1x1x768xf32> to vector<1x768xf32>
      %add3A_119 = vector.broadcast %get3A_118 : vector<1x768xf32> to vector<128x768xf32>
      %add3A_120 = arith.addf %add3A_113, %add3A_119 : vector<128x768xf32>
      %iota3A = tpu.iota {dimensions = array<i32: 0>} : vector<128x1xi32>
      %add3A_121 = vector.broadcast %mul3A_63 : i32 to vector<128x1xi32>
      %add3A_122 = arith.addi %add3A_121, %iota3A : vector<128x1xi32>
      %ge3A = vector.broadcast %get3A_3 : i32 to vector<128x1xi32>
      %ge3A_123 = arith.cmpi sge, %add3A_122, %ge3A : vector<128x1xi32>
      %lt3A = vector.broadcast %get3A_6 : i32 to vector<128x1xi32>
      %lt3A_124 = arith.cmpi slt, %add3A_122, %lt3A : vector<128x1xi32>
      %and3A_125 = arith.andi %ge3A_123, %lt3A_124 : vector<128x1xi1>
      %get3A_126 = arith.index_cast %mul3A_63 : i32 to index
      %get3A_127 = arith.constant 0 : index
      %get3A_128 = vector.load %arg10[%get3A_126, %get3A_127] : memref<2048x768xf32, #tpu.memory_space<vmem>>, vector<128x768xf32>
      %jit3A_129 = arith.constant 0.000000e+00 : f32
      %broadcast_in_dim3A = vector.shape_cast %and3A_125 : vector<128x1xi1> to vector<128x1xi1>
      %broadcast_in_dim3A_130 = vector.broadcast %broadcast_in_dim3A : vector<128x1xi1> to vector<128x768xi1>
      %broadcast_in_dim3A_131 = vector.broadcast %jit3A_129 : f32 to vector<128x768xf32>
      %select_n3A_132 = arith.select %broadcast_in_dim3A_130, %add3A_120, %broadcast_in_dim3A_131 : vector<128x768xi1>, vector<128x768xf32>
      %add3A_133 = arith.addf %get3A_128, %select_n3A_132 : vector<128x768xf32>
      %swap3A = arith.index_cast %mul3A_63 : i32 to index
      %swap3A_134 = arith.constant 0 : index
      %swap3A_135 = vector.load %arg10[%swap3A, %swap3A_134] : memref<2048x768xf32, #tpu.memory_space<vmem>>, vector<128x768xf32>
      tpu.vector_store %arg10[%swap3A, %swap3A_134], %add3A_133 {strides = array<i32>} : memref<2048x768xf32, #tpu.memory_space<vmem>>, vector<128x768xf32>,
      %while3A_136 = arith.constant 0 : i32
      scf.yield %while3A_136 : i32
    }
    %while3A_59 = arith.constant 1 : i32
    %while3A_60 = scf.for %while3A_61 = %while3A_56 to %while3A_52 step %while3A_59 iter_args(%while3A_62 = %while3A_58) -> (i32)  : i32 {
      %mul3A = arith.constant 128 : i32
      %mul3A_63 = arith.muli %while3A_61, %mul3A : i32
      %get3A_64 = arith.index_cast %mul3A_63 : i32 to index
      %get3A_65 = arith.constant 0 : index
      %get3A_66 = vector.load %arg3[%get3A_64, %get3A_65] : memref<2048x768xf32, #tpu.memory_space<vmem>>, vector<128x768xf32>
      %get3A_67 = arith.constant 0 : index
      %get3A_68 = arith.constant 0 : index
      %get3A_69 = arith.constant 0 : index
      %get3A_70 = vector.load %arg4[%get3A_67, %get3A_68, %get3A_69] : memref<1x768x1024xf32, #tpu.memory_space<vmem>>, vector<1x768x1024xf32>
      %get3A_71 = vector.shape_cast %get3A_70 : vector<1x768x1024xf32> to vector<768x1024xf32>
      %dot_general3A = arith.constant dense<0.000000e+00> : vector<128x1024xf32>
      %dot_general3A_72 = tpu.matmul %get3A_66, %get3A_71, %dot_general3A {dimension_numbers = #tpu.dot_dimension_numbers<[1], [0], [0], [1], [0, 0, 1, 1], [], []>, transpose_lhs_hint = false} : vector<128x768xf32>, vector<768x1024xf32>, vector<128x1024xf32> -> vector<128x1024xf32>
      %get3A_73 = arith.constant 0 : index
      %get3A_74 = arith.constant 0 : index
      %get3A_75 = arith.constant 0 : index
      %get3A_76 = vector.load %arg6[%get3A_73, %get3A_74, %get3A_75] : memref<1x1x2048xf32, #tpu.memory_space<vmem>>, vector<1x1x1024xf32>
      %get3A_77 = vector.shape_cast %get3A_76 : vector<1x1x1024xf32> to vector<1x1024xf32>
      %add3A_78 = vector.broadcast %get3A_77 : vector<1x1024xf32> to vector<128x1024xf32>
      %add3A_79 = arith.addf %dot_general3A_72, %add3A_78 : vector<128x1024xf32>
      %max3A = arith.constant 0.000000e+00 : f32
      %max3A_80 = vector.broadcast %max3A : f32 to vector<128x1024xf32>
      %max3A_81 = arith.maximumf %add3A_79, %max3A_80 : vector<128x1024xf32>
      %get3A_82 = arith.constant 0 : index
      %get3A_83 = arith.constant 0 : index
      %get3A_84 = arith.constant 0 : index
      %get3A_85 = vector.load %arg5[%get3A_82, %get3A_83, %get3A_84] : memref<1x768x1024xf32, #tpu.memory_space<vmem>>, vector<1x768x1024xf32>
      %get3A_86 = vector.shape_cast %get3A_85 : vector<1x768x1024xf32> to vector<768x1024xf32>
      %dot_general3A_87 = arith.constant dense<0.000000e+00> : vector<128x1024xf32>
      %dot_general3A_88 = tpu.matmul %get3A_66, %get3A_86, %dot_general3A_87 {dimension_numbers = #tpu.dot_dimension_numbers<[1], [0], [0], [1], [0, 0, 1, 1], [], []>, transpose_lhs_hint = false} : vector<128x768xf32>, vector<768x1024xf32>, vector<128x1024xf32> -> vector<128x1024xf32>
      %get3A_89 = arith.constant 0 : index
      %get3A_90 = arith.constant 0 : index
      %get3A_91 = arith.constant 1024 : index
      %get3A_92 = vector.load %arg6[%get3A_89, %get3A_90, %get3A_91] : memref<1x1x2048xf32, #tpu.memory_space<vmem>>, vector<1x1x1024xf32>
      %get3A_93 = vector.shape_cast %get3A_92 : vector<1x1x1024xf32> to vector<1x1024xf32>
      %add3A_94 = vector.broadcast %get3A_93 : vector<1x1024xf32> to vector<128x1024xf32>
      %add3A_95 = arith.addf %dot_general3A_88, %add3A_94 : vector<128x1024xf32>
      %max3A_96 = arith.constant 0.000000e+00 : f32
      %max3A_97 = vector.broadcast %max3A_96 : f32 to vector<128x1024xf32>
      %max3A_98 = arith.maximumf %add3A_95, %max3A_97 : vector<128x1024xf32>
      %get3A_99 = arith.constant 0 : index
      %get3A_100 = arith.constant 0 : index
      %get3A_101 = arith.constant 0 : index
      %get3A_102 = vector.load %arg7[%get3A_99, %get3A_100, %get3A_101] : memref<1x1024x768xf32, #tpu.memory_space<vmem>>, vector<1x1024x768xf32>
      %get3A_103 = vector.shape_cast %get3A_102 : vector<1x1024x768xf32> to vector<1024x768xf32>
      %dot_general3A_104 = arith.constant dense<0.000000e+00> : vector<128x768xf32>
      %dot_general3A_105 = tpu.matmul %max3A_81, %get3A_103, %dot_general3A_104 {dimension_numbers = #tpu.dot_dimension_numbers<[1], [0], [0], [1], [0, 0, 1, 1], [], []>, transpose_lhs_hint = false} : vector<128x1024xf32>, vector<1024x768xf32>, vector<128x768xf32> -> vector<128x768xf32>
      %get3A_106 = arith.constant 0 : index
      %get3A_107 = arith.constant 0 : index
      %get3A_108 = arith.constant 0 : index
      %get3A_109 = vector.load %arg8[%get3A_106, %get3A_107, %get3A_108] : memref<1x1024x768xf32, #tpu.memory_space<vmem>>, vector<1x1024x768xf32>
      %get3A_110 = vector.shape_cast %get3A_109 : vector<1x1024x768xf32> to vector<1024x768xf32>
      %dot_general3A_111 = arith.constant dense<0.000000e+00> : vector<128x768xf32>
      %dot_general3A_112 = tpu.matmul %max3A_98, %get3A_110, %dot_general3A_111 {dimension_numbers = #tpu.dot_dimension_numbers<[1], [0], [0], [1], [0, 0, 1, 1], [], []>, transpose_lhs_hint = false} : vector<128x1024xf32>, vector<1024x768xf32>, vector<128x768xf32> -> vector<128x768xf32>
      %add3A_113 = arith.addf %dot_general3A_105, %dot_general3A_112 : vector<128x768xf32>
      %get3A_114 = arith.constant 0 : index
      %get3A_115 = arith.constant 0 : index
      %get3A_116 = arith.constant 0 : index
      %get3A_117 = vector.load %arg9[%get3A_114, %get3A_115, %get3A_116] : memref<1x1x768xf32, #tpu.memory_space<vmem>>, vector<1x1x768xf32>
      %get3A_118 = vector.shape_cast %get3A_117 : vector<1x1x768xf32> to vector<1x768xf32>
      %add3A_119 = vector.broadcast %get3A_118 : vector<1x768xf32> to vector<128x768xf32>
      %add3A_120 = arith.addf %add3A_113, %add3A_119 : vector<128x768xf32>
      %iota3A = tpu.iota {dimensions = array<i32: 0>} : vector<128x1xi32>
      %add3A_121 = vector.broadcast %mul3A_63 : i32 to vector<128x1xi32>
      %add3A_122 = arith.addi %add3A_121, %iota3A : vector<128x1xi32>
      %ge3A = vector.broadcast %get3A_3 : i32 to vector<128x1xi32>
      %ge3A_123 = arith.cmpi sge, %add3A_122, %ge3A : vector<128x1xi32>
      %lt3A = vector.broadcast %get3A_6 : i32 to vector<128x1xi32>
      %lt3A_124 = arith.cmpi slt, %add3A_122, %lt3A : vector<128x1xi32>
      %and3A_125 = arith.andi %ge3A_123, %lt3A_124 : vector<128x1xi1>
      %get3A_126 = arith.index_cast %mul3A_63 : i32 to index
      %get3A_127 = arith.constant 0 : index
      %get3A_128 = vector.load %arg10[%get3A_126, %get3A_127] : memref<2048x768xf32, #tpu.memory_space<vmem>>, vector<128x768xf32>
      %jit3A_129 = arith.constant 0.000000e+00 : f32
      %broadcast_in_dim3A = vector.shape_cast %and3A_125 : vector<128x1xi1> to vector<128x1xi1>
      %broadcast_in_dim3A_130 = vector.broadcast %broadcast_in_dim3A : vector<128x1xi1> to vector<128x768xi1>
      %broadcast_in_dim3A_131 = vector.broadcast %jit3A_129 : f32 to vector<128x768xf32>
      %select_n3A_132 = arith.select %broadcast_in_dim3A_130, %add3A_120, %broadcast_in_dim3A_131 : vector<128x768xi1>, vector<128x768xf32>
      %add3A_133 = arith.addf %get3A_128, %select_n3A_132 : vector<128x768xf32>
      %swap3A = arith.index_cast %mul3A_63 : i32 to index
      %swap3A_134 = arith.constant 0 : index
      %swap3A_135 = vector.load %arg10[%swap3A, %swap3A_134] : memref<2048x768xf32, #tpu.memory_space<vmem>>, vector<128x768xf32>
      tpu.vector_store %arg10[%swap3A, %swap3A_134], %add3A_133 {strides = array<i32>} : memref<2048x768xf32, #tpu.memory_space<vmem>>, vector<128x768xf32>,
      %while3A_136 = arith.constant 0 : i32
      scf.yield %while3A_136 : i32
    }
    return
  }
  func.func @transform_0(%arg0: i32, %arg1: memref<1x128xi32, #tpu.memory_space<smem>>, %arg2: memref<1x128xi32, #tpu.memory_space<smem>>) -> (i32, i32) {
    %c0_i32 = arith.constant 0 : i32
    %c0_i32_0 = arith.constant 0 : i32
    %c0_i32_1 = arith.constant 0 : i32
    return %c0_i32, %c0_i32_0 : i32, i32
  }
  func.func @transform_1(%arg0: i32, %arg1: memref<1x128xi32, #tpu.memory_space<smem>>, %arg2: memref<1x128xi32, #tpu.memory_space<smem>>) -> (i32, i32, i32) {
    %c0_i32 = arith.constant 0 : i32
    %c0_i32_0 = arith.constant 0 : i32
    %c0_i32_1 = arith.constant 0 : i32
    return %arg0, %c0_i32, %c0_i32_0 : i32, i32, i32
  }
  func.func @transform_2(%arg0: i32, %arg1: memref<1x128xi32, #tpu.memory_space<smem>>, %arg2: memref<1x128xi32, #tpu.memory_space<smem>>) -> (i32, i32, i32) {
    %c0_i32 = arith.constant 0 : i32
    %c1_i32 = arith.constant 1 : i32
    %c0_i32_0 = arith.constant 0 : i32
    return %arg0, %c0_i32, %c1_i32 : i32, i32, i32
  }
  func.func @transform_3(%arg0: i32, %arg1: memref<1x128xi32, #tpu.memory_space<smem>>, %arg2: memref<1x128xi32, #tpu.memory_space<smem>>) -> (i32, i32, i32) {
    %c0_i32 = arith.constant 0 : i32
    %c0_i32_0 = arith.constant 0 : i32
    %c0_i32_1 = arith.constant 0 : i32
    return %arg0, %c0_i32, %c0_i32_0 : i32, i32, i32
  }
  func.func @transform_4(%arg0: i32, %arg1: memref<1x128xi32, #tpu.memory_space<smem>>, %arg2: memref<1x128xi32, #tpu.memory_space<smem>>) -> (i32, i32, i32) {
    %c0_i32 = arith.constant 0 : i32
    %c0_i32_0 = arith.constant 0 : i32
    %c0_i32_1 = arith.constant 0 : i32
    return %arg0, %c0_i32, %c0_i32_0 : i32, i32, i32
  }
  func.func @transform_5(%arg0: i32, %arg1: memref<1x128xi32, #tpu.memory_space<smem>>, %arg2: memref<1x128xi32, #tpu.memory_space<smem>>) -> (i32, i32, i32) {
    %c1_i32 = arith.constant 1 : i32
    %c0_i32 = arith.constant 0 : i32
    %c0_i32_0 = arith.constant 0 : i32
    return %arg0, %c1_i32, %c0_i32 : i32, i32, i32
  }
  func.func @transform_6(%arg0: i32, %arg1: memref<1x128xi32, #tpu.memory_space<smem>>, %arg2: memref<1x128xi32, #tpu.memory_space<smem>>) -> (i32, i32, i32) {
    %c0_i32 = arith.constant 0 : i32
    %c0_i32_0 = arith.constant 0 : i32
    %c0_i32_1 = arith.constant 0 : i32
    return %arg0, %c0_i32, %c0_i32_0 : i32, i32, i32
  }
  func.func @transform_7(%arg0: i32, %arg1: memref<1x128xi32, #tpu.memory_space<smem>>, %arg2: memref<1x128xi32, #tpu.memory_space<smem>>) -> (i32, i32) {
    %c0_i32 = arith.constant 0 : i32
    %c0_i32_0 = arith.constant 0 : i32
    %c0_i32_1 = arith.constant 0 : i32
    return %c0_i32, %c0_i32_0 : i32, i32
  }
}

</mosaic_0001>

<sc_bundles>
// kernel: kernel.6.cloned.1.call-start
scs
__scs_entry_jumppad:
0x0: {  	(pc) =	sbr.rel $0x88, $3  }
0x1: {  	(tag) =	ssettag $0x0;
	lr =	simm.s32 $0x1  }
0x2: {  	[smem:$0x3F9A] =	sst lr;
	_ =	strace $0xD0000000  }
0x3: {  	_ = 	snop  }
0x4: {  	_ = 	snop  }
0x5: {  	_ = 	snop  }
0x6: {  	_ = 	snop  }
0x7: {  	_ = 	snop  }
__scs_overlays_trampoline_lowered:
0x8: {  	[smem:$0x3FA9] =	sst s0  }
0x9: {  	[smem:$0x3FAA] =	sst s1  }
0xa: {  	[smem:$0x3FAB] =	sst s2  }
0xb: {  	[smem:$0x3FAC] =	sst s3  }
0xc: {  	[smem:$0x3FAD] =	sst s4  }
0xd: {  	[smem:$0x3FAE] =	sst s5  }
0xe: {  	[smem:$0x3FAF] =	sst s6  }
0xf: {  	[smem:$0x3FB0] =	sst s7  }
0x10: {  	[smem:$0x3FB1] =	sst s8  }
0x11: {  	[smem:$0x3FB2] =	sst s9;
	s0 =	simm.s32 @!p0 $0x0  }
0x12: {  	s1 =	sld [smem:$0x3F98];
	s0 =	simm.s32 @p0 $0x1  }
0x13: {  	[smem:$0x3FB3] =	sst s0;
	s0 =	simm.s32 @!p1 $0x0  }
0x14: {  	s2 =	sld [smem:$0x3F97];
	s0 =	simm.s32 @p1 $0x1  }
0x15: {  	[smem:$0x3FB4] =	sst s0;
	s0 =	simm.s32 @!p2 $0x0  }
0x16: {  	s3 =	sld [smem:$0x3FDB];
	s0 =	simm.s32 @p2 $0x1  }
0x17: {  	s4 =	simm.s32 $0x1BF5;
	[smem:$0x3FB6] =	sst s0  }
0x18: {  	s0 =	sld [smem:$0x3F99];
	_ =	swait.ge [sflag:s4], $0x0  }
0x19: {  	s7 =	sld [smem:$0x3F9A]  }
0x1a: {  	s8 =	sadd.s32 $0xFFFFE003, lr  }
0x1b: {  	s9 =	sadd.s32 $0xFFFFFEF7, lr;
	s5 =	simm.s32 $0xFFFFFFFF;
	p2 =	slt.u32 s8, $0xFFFFF086  }
0x1c: {  	p1 =	slt.u32 s9, $0xF7A;
	s5 =	simm.s32 @!p2 $0x0  }
0x1d: {  	s5 =	simm.s32 @p1 $0x1;
	p0 =	seq.s32 s7, s2  }
0x1e: {  	s7 =	smul.u32 @!p0 $0xF7A, s2;
	p2 =	seq.s32 @!p0 s5, $0x0  }
0x1f: {  	s9 =	smul.u32 $0xF7A, s1;
	s8 =	simm.s32 @!p0 $0x1BF5;
	p2 =	por !p2, p0  }
0x20: {  	[sflag:s8] =	ssyncset.s32 @!p0 $0xFFFFF086;
	s6 =	sadd.s32 @!p0 s3, s7;
	s7 =	simm.s32 @!p0 $0x108  }
0x21: {  	s3 =	sadd.s32 s3, s9;
	s6 =	sadd.s32 @!p0 $0x88, s6;
	s7 =	simm.s32 @p2 $0x1082  }
0x22: {  	[simem:s7], [sflag:s8] =	dma.local @!p0 [hbm:s6], $0xF7A  }
0x23: {  	s9 =	sor.u32 $0xD0000000, s2;
	s6 =	simm.s32 $0x108;
	_ =	swait.ge @!p0 [sflag:s8], $0x0  }
0x24: {  	s3 =	sadd.s32 $0x88, s3;
	s6 =	simm.s32 @!p1 $0x1082;
	[sflag:s4] =	ssyncset.s32 $0xFFFFF086  }
0x25: {  	[simem:s6], [sflag:s4] =	dma.local [hbm:s3], $0xF7A  }
0x26: {  	[smem:$0x3F9A] =	sst s1;
	(tag) =	ssettag s2;
	_ =	strace s9  }
0x27: {  	s1 =	sld [smem:$0x3FAA]  }
0x28: {  	s2 =	sld [smem:$0x3FAB]  }
0x29: {  	s4 =	sld [smem:$0x3FAD]  }
0x2a: {  	p0 =	seq.s32 s5, $0x0;
	s5 =	sld [smem:$0x3FAE]  }
0x2b: {  	s6 =	sld [smem:$0x3FAF]  }
0x2c: {  	s7 =	sld [smem:$0x3FB0]  }
0x2d: {  	s3 =	simm.s32 $0x108;
	s8 =	sld [smem:$0x3FB1]  }
0x2e: {  	s3 =	simm.s32 @!p0 $0x1082;
	s9 =	sld [smem:$0x3FB2]  }
0x2f: {  	lr =	sadd.s32 s0, s3;
	s0 =	sld [smem:$0x3FA9]  }
0x30: {  	s3 =	sld [smem:$0x3FAC]  }
0x31: {  	[smem:$0x3FB5] =	sst s10  }
0x32: {  	s10 =	sld [smem:$0x3FB3];
	_ =	sdelay $0x3  }
0x33: {  	p0 =	seq.s32 s10, $0x1;
	s10 =	sld [smem:$0x3FB5];
	_ =	sdelay $0x3  }
0x34: {  	[smem:$0x3FB5] =	sst s10  }
0x35: {  	s10 =	sld [smem:$0x3FB4];
	_ =	sdelay $0x3  }
0x36: {  	p1 =	seq.s32 s10, $0x1;
	s10 =	sld [smem:$0x3FB5];
	_ =	sdelay $0x3  }
0x37: {  	[smem:$0x3FB5] =	sst s10  }
0x38: {  	s10 =	sld [smem:$0x3FB6]  }
0x39: {  	_ = 	snop;
	(pc) =	sbr.ind lr, $3  }
0x3a: {  	_ = 	snop  }
0x3b: {  	_ = 	snop  }
0x3c: {  	p2 =	seq.s32 s10, $0x1;
	s10 =	sld [smem:$0x3FB5]  }
0x3d: {  	_ =	shalt  }
0x3e: {  	_ =	shalt  }
0x3f: {  	_ =	shalt  }
0x40: {  	_ =	shalt  }
0x41: {  	_ =	shalt  }
0x42: {  	_ =	shalt  }
0x43: {  	_ =	shalt  }
0x44: {  	_ =	shalt  }
0x45: {  	_ =	shalt  }
0x46: {  	_ =	shalt  }
0x47: {  	_ =	shalt  }
0x48: {  	_ =	shalt  }
0x49: {  	_ =	shalt  }
0x4a: {  	_ =	shalt  }
0x4b: {  	_ =	shalt  }
0x4c: {  	_ =	shalt  }
0x4d: {  	_ =	shalt  }
0x4e: {  	_ =	shalt  }
0x4f: {  	_ =	shalt  }
0x50: {  	_ =	shalt  }
0x51: {  	_ =	shalt  }
0x52: {  	_ =	shalt  }
0x53: {  	_ =	shalt  }
0x54: {  	_ =	shalt  }
0x55: {  	_ =	shalt  }
0x56: {  	_ =	shalt  }
0x57: {  	_ =	shalt  }
0x58: {  	_ =	shalt  }
0x59: {  	_ =	shalt  }
0x5a: {  	_ =	shalt  }
0x5b: {  	_ =	shalt  }
0x5c: {  	_ =	shalt  }
0x5d: {  	_ =	shalt  }
0x5e: {  	_ =	shalt  }
0x5f: {  	_ =	shalt  }
0x60: {  	_ =	shalt  }
0x61: {  	_ =	shalt  }
0x62: {  	_ =	shalt  }
0x63: {  	_ =	shalt  }
0x64: {  	_ =	shalt  }
0x65: {  	_ =	shalt  }
0x66: {  	_ =	shalt  }
0x67: {  	_ =	shalt  }
0x68: {  	_ =	shalt  }
0x69: {  	_ =	shalt  }
0x6a: {  	_ =	shalt  }
0x6b: {  	_ =	shalt  }
0x6c: {  	_ =	shalt  }
0x6d: {  	_ =	shalt  }
0x6e: {  	_ =	shalt  }
0x6f: {  	_ =	shalt  }
0x70: {  	_ =	shalt  }
0x71: {  	_ =	shalt  }
0x72: {  	_ =	shalt  }
0x73: {  	_ =	shalt  }
0x74: {  	_ =	shalt  }
0x75: {  	_ =	shalt  }
0x76: {  	_ =	shalt  }
0x77: {  	_ =	shalt  }
0x78: {  	_ =	shalt  }
0x79: {  	_ =	shalt  }
0x7a: {  	_ =	shalt  }
0x7b: {  	_ =	shalt  }
0x7c: {  	_ =	shalt  }
0x7d: {  	_ =	shalt  }
0x7e: {  	_ =	shalt  }
0x7f: {  	_ =	shalt  }
0x80: {  	_ =	shalt  }
0x81: {  	_ =	shalt  }
0x82: {  	_ =	shalt  }
0x83: {  	_ =	shalt  }
0x84: {  	_ =	shalt  }
0x85: {  	_ =	shalt  }
0x86: {  	_ =	shalt  }
0x87: {  	_ =	shalt  }
.Lfunc_end0:
.L_simem_size_0:
called_computation_lowered:
.L_overlay_start_0:
0x88: {  	s2 =	sld [smem:$0x3FD9]  }
0x89: {  	s3 =	sld [smem:$0x3FFE];
	_ =	sdelay $0x1  }
0x8a: {  	s1 =	srdreg.scid  }
0x8b: {  	s0 =	sand.u32 $0x1, s1  }
0x8c: {  	s17 =	sshll.u32 s0, $0xA;
	s2 =	sadd.s32 s3, s2  }
0x8d: {  	s2 =	sadd.s32 s2, s17  }
0x8e: {  	[smem:$0x3FC1] =	sst s2  }
0x8f: {  	_ = 	snop  }
0x90: {  	s2 =	sld [smem:$0x3FC9]  }
0x91: {  	s18 =	sld [smem:$0x3FD0];
	(tm) =	ssettm $0x1  }
0x92: {  	s4 =	sld [smem:$0x3FFB];
	_ =	sdelay $0x3  }
0x93: {  	_ =	strace s4  }
0x94: {  	s4 =	sld [smem:$0x3FFC];
	_ =	sdelay $0x3  }
0x95: {  	_ =	strace s4  }
0x96: {  	s4 =	sld [smem:$0x3FFD];
	_ =	sdelay $0x3  }
0x97: {  	_ =	strace s4  }
0x98: {  	_ =	strace $0x8FFFFFFF  }
0x99: {  	s19 =	sld [smem:$0x3FDB];
	_ =	sdelay $0x1  }
0x9a: {  	s5 =	simm.s32 $_scs_section_size  }
0x9b: {  	s6 =	simm.s32 $_size__tile_overlayer_lowered;
	s7 =	simm.s32 $_tile_overlayer_lowered  }
0x9c: {  	s22 =	simm.s32 $0x1BFF;
	s21 =	sshll.u32 s7, $0x1;
	s4 =	sadd.s32 s5, s19  }
0x9d: {  	s8 =	simm.s32 $0x0;
	s20 =	sshll.u32 s6, $0x1;
	s6 =	sadd.s32 s21, s4  }
0x9e: {  	[timem:s8], [sflag:s22] =	dma.local [hbm:s6], s20  }
0x9f: {  	_ =	swait.ge [sflag:s22], s20  }
0xa0: {  	s5 =	ssub.s32 $0x0, s20;
	[sflag:s22] =	ssyncset.done $0x0  }
0xa1: {  	[sflag:s22] =	ssyncadd.s32 s5;
	_ =	sdelay $0x1  }
0xa2: {  	s23 =	simm.s32 $0x1B8B  }
0xa3: {  	_ =	swait.ge [sflag:s23], $0x1  }
0xa4: {  	[sflag:s23] =	ssyncset.done $0x0  }
0xa5: {  	s25 =	simm.s32 $0x1B8E;
	s24 =	sld [smem:$0x3FFE];
	[sflag:s23] =	ssyncadd.s32 $0xFFFFFFFF  }
0xa6: {  	s26 =	simm.s32 $execute0_lowered;
	[smem:$0x3FD2] =	sst s25  }
0xa7: {  	s6 =	sshll.u32 s26, $0x1;
	_ =	strace $0x80000046;
	[dreg:$0x1] =	wrdreg $0xFFFFFFFF  }
0xa8: {  	s28 =	simm.s32 $_size_execute0_lowered;
	s4 =	sadd.s32 s4, s6;
	[dreg:$0x0] =	wrdreg $0x0  }
0xa9: {  	s6 =	sshll.u32 s28, $0x1;
	[dreg:$0x2] =	wrdreg s4  }
0xaa: {  	[dreg:$0x3] =	wrdreg s6  }
0xab: {  	[dreg:$0x4] =	wrdreg $0xC0  }
0xac: {  	_ =	task [dreg:s8], $0x5FFFF  }
0xad: {  	[dreg:$0x1] =	wrdreg $0xFFFFFFFF  }
0xae: {  	[dreg:$0x0] =	wrdreg $0x60  }
0xaf: {  	[dreg:$0x2] =	wrdreg s2  }
0xb0: {  	[dreg:$0x3] =	wrdreg s24  }
0xb1: {  	[dreg:$0x4] =	wrdreg s18  }
0xb2: {  	[dreg:$0x5] =	wrdreg $0x9  }
0xb3: {  	_ =	task.clear_ibuf [dreg:s8], $0x6FFFF;
	_ =	strace $0x90000046  }
0xb4: {  	s29 =	simm.s32 $0x9;
	_ =	strace $0x80000048  }
0xb5: {  	_ =	swait.ge [sflag:s29], $0x1  }
0xb6: {  	[sflag:s29] =	ssyncadd.s32 $0xFFFFFFFF  }
0xb7: {  	_ =	strace $0x90000048  }
0xb8: {  	_ =	sfence  }
0xb9: {  	s30 =	sld [smem:$0x0];
	_ =	sdelay $0x2  }
0xba: {  	s31 =	sshll.u32 s1, $0xD;
	s1 =	sshrl.u32 s1, $0x2  }
0xbb: {  	s3 =	sand.u32 $0x4000, s31;
	s1 =	sadd.s32 s1, s30  }
0xbc: {  	s0 =	sor.u32 s3, s0;
	s1 =	sshll.u32 s1, $0x11  }
0xbd: {  	s0 =	sor.u32 s1, s0  }
0xbe: {  	s0 =	sadd.s32 $0x8F2B, s0  }
0xbf: {  	[sflag:s0] =	ssyncadd.remote.s32 $0x1  }
0xc0: {  	_ =	sfence.sel $0xFFFF  }
0xc1: {  	[dreg:$0x0] =	wrdreg $0xFFFFFFFF;
	(pc) =	sbr.abs _section_cstart, $3  }
0xc2: {  	[dreg:$0x1] =	wrdreg $0xFFFFFFFF  }
0xc3: {  	_ =	task.clear_ibuf [dreg:s8], $0x2FFFF;
	_ =	strace $0x9FFFFFFF  }
0xc4: {  	(tm) =	ssettm $0x7FFFFFFF  }
0xc5: {  	_ =	shalt  }
tec
execute0_lowered:
.L_overlay_start_1:
0x0: {  	(tag) =	ssettag $0x1  }
0x1: {  	s1 =	rddreg [dreg:$0x0]  }
0x2: {  	s2 =	srdreg.scid;
	s4 =	rddreg [dreg:$0x1]  }
0x3: {  	s0 =	stileid.u32;
	s3 =	simm.s32 $0x0;
	s8 =	simm.s32 $0x80  }
0x4: {  	s26 =	simm.s32 $0x880;
	s9 =	simm.s32 $0x1080;
	s10 =	simm.s32 $0x1880  }
0x5: {  	s11 =	simm.s32 $0x2080;
	s12 =	simm.s32 $0x2880;
	s13 =	simm.s32 $0x3080  }
0x6: {  	s14 =	simm.s32 $0x3880;
	s15 =	simm.s32 $0x4080;
	s16 =	simm.s32 $0x4880  }
0x7: {  	s17 =	simm.s32 $0x5080;
	s18 =	simm.s32 $0x5880;
	s19 =	simm.s32 $0x6080  }
0x8: {  	s20 =	simm.s32 $0x6880;
	s21 =	simm.s32 $0x7080;
	s22 =	simm.s32 $0x7880  }
0x9: {  	s23 =	simm.s32 $0x8080;
	s28 =	simm.s32 $0xA080;
	s29 =	simm.s32 $0xA880  }
0xa: {  	s30 =	simm.s32 $0xB080;
	s5 =	sand.u32 $0x1, s2;
	s2 =	rddreg [dreg:$0x2]  }
0xb: {  	s31 =	simm.s32 $0xB880;
	s6 =	sshll.u32 s0, $0x4;
	[smem:$0x7FF] =	sst s3  }
0xc: {  	s7 =	sshll.u32 s5, $0x3;
	_ =	strace $0x80000047;
	s5 =	ssub.s32 $0x2, s5  }
0xd: {  	[dreg:$0x6] =	wrdreg s26;
	s26 =	simm.s32 $0x9880;
	s6 =	sor.u32 s7, s6  }
0xe: {  	s24 =	sshrl.u32 s5, $0x1;
	s7 =	simm.s32 $0x2;
	s4 =	sadd.s32 s6, s4  }
0xf: {  	s6 =	smul.u32 $0x300, s6;
	s25 =	ssub.s32 s5, s24;
	s4 =	sadd.s32 $0x1200, s4  }
0x10: {  	v2 =	vlaneseq.u32;
	s5 =	sadd.s32 $0x200, s2;
	s24 =	simm.s32 $0x8880;
	[dreg:$0x4] =	wrdreg s4  }
0x11: {  	vm0 =	vmmov $0xffff;
	v1 =	vshrl.u32 v2, $0x3;
	s1 =	sadd.s32 s1, s6;
	s4 =	sadd.s32 $0x100, s2;
	s6 =	smax.u32 s25, $0x1  }
0x12: {  	v0 =	vand.u32 $0x7, v2;
	v2 =	vor.u32 $0x8, v2;
	v1 =	vmul.u32 $0x8, v1;
	s25 =	simm.s32 $0x9080;
	[dreg:$0x5] =	wrdreg s1;
	s1 =	simm.s32 $0x1  }
.LBB2_1:
0x13: {  	s0 =	rddreg [dreg:$0x4]  }
0x14: {  	[tilespmem:s3], [sflag:$0x2] =	stream.linear.gather [hbm4b:s0+s3], $0x40, $0x38;
	[tilespmem:$0xC080] =	vst v63  }
0x15: {  	_ =	swait.ge [sflag:s7], $0x40  }
0x16: {  	[sflag:s7] =	ssyncset.done $0x0  }
0x17: {  	s0 =	rddreg [dreg:$0x5];
	[sflag:s7] =	ssyncadd.s32 $0xFFFFFFC0  }
0x18: {  	[tilespmem:s8], [sflag:$0x2] =	stream.linear.gather [hbm4b:s0+s3], $0xC000, $0x38;
	[tilespmem:$0xC080] =	vst v63  }
0x19: {  	_ =	swait.ge [sflag:s7], $0xC000  }
0x1a: {  	[sflag:s7] =	ssyncset.done $0x0  }
0x1b: {  	[sflag:s7] =	ssyncadd.s32 $0xFFFF4000  }
0x1c: {  	v3 =	vld [tilespmem:$0x0];
	_ =	sdelay $0x4  }
0x1d: {  	v4 =	vshrl.u32 v3, $0x3  }
0x1e: {  	v4 =	vmul.u32 $0x30, v4  }
0x1f: {  	v3 =	vand.u32 $0x7, v3  }
0x20: {  	v3 =	vor.u32 v3, v4  }
0x21: {  	v4 =	vperm.xlane v3, v0;
	_ =	sdelay $0x1  }
0x22: {  	v4 =	vadd.s32 v1, v4;
	_ =	sdelay $0x3  }
0x23: {  	v3 =	vperm.xlane v3, v2  }
0x24: {  	[hbm4b:s2+s3] =	stream.indirect_vreg.scatter [tilespmem:s8], [sflag:$0x1], $0x80, v4, vm0, $0xb8;
	[tilespmem:$0xC080] =	vst v63  }
0x25: {  	s0 =	rddreg [dreg:$0x6];
	v3 =	vadd.s32 v1, v3  }
0x26: {  	[hbm4b:s4+s3] =	stream.indirect_vreg.scatter [tilespmem:s0], [sflag:$0x1], $0x80, v4, vm0, $0xb8;
	[tilespmem:$0xC080] =	vst v63  }
0x27: {  	_ = 	snop  }
0x28: {  	[hbm4b:s5+s3] =	stream.indirect_vreg.scatter [tilespmem:s9], [sflag:$0x1], $0x80, v4, vm0, $0xb8;
	[tilespmem:$0xC080] =	vst v63  }
0x29: {  	_ = 	snop  }
0x2a: {  	[hbm4b:s2+s3] =	stream.indirect_vreg.scatter [tilespmem:s10], [sflag:$0x1], $0x80, v3, vm0, $0xb8;
	[tilespmem:$0xC080] =	vst v63  }
0x2b: {  	_ = 	snop  }
0x2c: {  	[hbm4b:s4+s3] =	stream.indirect_vreg.scatter [tilespmem:s11], [sflag:$0x1], $0x80, v3, vm0, $0xb8;
	[tilespmem:$0xC080] =	vst v63  }
0x2d: {  	_ = 	snop  }
0x2e: {  	[hbm4b:s5+s3] =	stream.indirect_vreg.scatter [tilespmem:s12], [sflag:$0x1], $0x80, v3, vm0, $0xb8;
	[tilespmem:$0xC080] =	vst v63  }
0x2f: {  	v3 =	vld [tilespmem:$0x10];
	_ =	sdelay $0x4  }
0x30: {  	v61 =	vshrl.u32 v3, $0x3  }
0x31: {  	v4 =	vmul.u32 $0x30, v61  }
0x32: {  	v3 =	vand.u32 $0x7, v3  }
0x33: {  	v3 =	vor.u32 v3, v4  }
0x34: {  	v4 =	vperm.xlane v3, v0;
	_ =	sdelay $0x1  }
0x35: {  	v4 =	vadd.s32 v1, v4;
	_ =	sdelay $0x3  }
0x36: {  	v3 =	vperm.xlane v3, v2  }
0x37: {  	[hbm4b:s2+s3] =	stream.indirect_vreg.scatter [tilespmem:s13], [sflag:$0x1], $0x80, v4, vm0, $0xb8;
	[tilespmem:$0xC080] =	vst v63  }
0x38: {  	v3 =	vadd.s32 v1, v3  }
0x39: {  	[hbm4b:s4+s3] =	stream.indirect_vreg.scatter [tilespmem:s14], [sflag:$0x1], $0x80, v4, vm0, $0xb8;
	[tilespmem:$0xC080] =	vst v63  }
0x3a: {  	_ = 	snop  }
0x3b: {  	[hbm4b:s5+s3] =	stream.indirect_vreg.scatter [tilespmem:s15], [sflag:$0x1], $0x80, v4, vm0, $0xb8;
	[tilespmem:$0xC080] =	vst v63  }
0x3c: {  	_ = 	snop  }
0x3d: {  	[hbm4b:s2+s3] =	stream.indirect_vreg.scatter [tilespmem:s16], [sflag:$0x1], $0x80, v3, vm0, $0xb8;
	[tilespmem:$0xC080] =	vst v63  }
0x3e: {  	_ = 	snop  }
0x3f: {  	[hbm4b:s4+s3] =	stream.indirect_vreg.scatter [tilespmem:s17], [sflag:$0x1], $0x80, v3, vm0, $0xb8;
	[tilespmem:$0xC080] =	vst v63  }
0x40: {  	_ = 	snop  }
0x41: {  	[hbm4b:s5+s3] =	stream.indirect_vreg.scatter [tilespmem:s18], [sflag:$0x1], $0x80, v3, vm0, $0xb8;
	[tilespmem:$0xC080] =	vst v63  }
0x42: {  	v3 =	vld [tilespmem:$0x20];
	_ =	sdelay $0x4  }
0x43: {  	v62 =	vshrl.u32 v3, $0x3  }
0x44: {  	v4 =	vmul.u32 $0x30, v62  }
0x45: {  	v3 =	vand.u32 $0x7, v3  }
0x46: {  	v3 =	vor.u32 v3, v4  }
0x47: {  	v4 =	vperm.xlane v3, v0;
	_ =	sdelay $0x1  }
0x48: {  	v4 =	vadd.s32 v1, v4;
	_ =	sdelay $0x3  }
0x49: {  	v3 =	vperm.xlane v3, v2  }
0x4a: {  	[hbm4b:s2+s3] =	stream.indirect_vreg.scatter [tilespmem:s19], [sflag:$0x1], $0x80, v4, vm0, $0xb8;
	[tilespmem:$0xC080] =	vst v63  }
0x4b: {  	v3 =	vadd.s32 v1, v3  }
0x4c: {  	[hbm4b:s4+s3] =	stream.indirect_vreg.scatter [tilespmem:s20], [sflag:$0x1], $0x80, v4, vm0, $0xb8;
	[tilespmem:$0xC080] =	vst v63  }
0x4d: {  	_ = 	snop  }
0x4e: {  	[hbm4b:s5+s3] =	stream.indirect_vreg.scatter [tilespmem:s21], [sflag:$0x1], $0x80, v4, vm0, $0xb8;
	[tilespmem:$0xC080] =	vst v63  }
0x4f: {  	_ = 	snop  }
0x50: {  	[hbm4b:s2+s3] =	stream.indirect_vreg.scatter [tilespmem:s22], [sflag:$0x1], $0x80, v3, vm0, $0xb8;
	[tilespmem:$0xC080] =	vst v63  }
0x51: {  	_ = 	snop  }
0x52: {  	[hbm4b:s4+s3] =	stream.indirect_vreg.scatter [tilespmem:s23], [sflag:$0x1], $0x80, v3, vm0, $0xb8;
	[tilespmem:$0xC080] =	vst v63  }
0x53: {  	_ = 	snop  }
0x54: {  	[hbm4b:s5+s3] =	stream.indirect_vreg.scatter [tilespmem:s24], [sflag:$0x1], $0x80, v3, vm0, $0xb8;
	[tilespmem:$0xC080] =	vst v63  }
0x55: {  	v3 =	vld [tilespmem:$0x30];
	_ =	sdelay $0x4  }
0x56: {  	v63 =	vshrl.u32 v3, $0x3  }
0x57: {  	v4 =	vmul.u32 $0x30, v63  }
0x58: {  	v3 =	vand.u32 $0x7, v3  }
0x59: {  	v3 =	vor.u32 v3, v4  }
0x5a: {  	v4 =	vperm.xlane v3, v0;
	_ =	sdelay $0x1  }
0x5b: {  	v4 =	vadd.s32 v1, v4;
	_ =	sdelay $0x3  }
0x5c: {  	v3 =	vperm.xlane v3, v2  }
0x5d: {  	[hbm4b:s2+s3] =	stream.indirect_vreg.scatter [tilespmem:s25], [sflag:$0x1], $0x80, v4, vm0, $0xb8;
	[tilespmem:$0xC080] =	vst v63  }
0x5e: {  	v3 =	vadd.s32 v1, v3  }
0x5f: {  	[hbm4b:s4+s3] =	stream.indirect_vreg.scatter [tilespmem:s26], [sflag:$0x1], $0x80, v4, vm0, $0xb8;
	[tilespmem:$0xC080] =	vst v63  }
0x60: {  	_ = 	snop  }
0x61: {  	[hbm4b:s5+s3] =	stream.indirect_vreg.scatter [tilespmem:s28], [sflag:$0x1], $0x80, v4, vm0, $0xb8;
	[tilespmem:$0xC080] =	vst v63  }
0x62: {  	_ = 	snop  }
0x63: {  	[hbm4b:s2+s3] =	stream.indirect_vreg.scatter [tilespmem:s29], [sflag:$0x1], $0x80, v3, vm0, $0xb8;
	[tilespmem:$0xC080] =	vst v63  }
0x64: {  	p0 =	sne.s32 s6, $0x1  }
0x65: {  	[hbm4b:s4+s3] =	stream.indirect_vreg.scatter [tilespmem:s30], [sflag:$0x1], $0x80, v3, vm0, $0xb8;
	[tilespmem:$0xC080] =	vst v63  }
.Ltmp0:
0x66: {  	_ = 	snop;
	(pc) =	sbr.rel @p0 .LBB2_1-.Ltmp0, $4  }
0x67: {  	[hbm4b:s5+s3] =	stream.indirect_vreg.scatter [tilespmem:s31], [sflag:$0x1], $0x80, v3, vm0, $0xb8;
	[tilespmem:$0xC080] =	vst v63  }
0x68: {  	_ =	swait.ge [sflag:s1], $0xC000  }
0x69: {  	[sflag:s1] =	ssyncset.done $0x0  }
0x6a: {  	s6 =	sadd.s32 $0xFFFFFFFF, s6;
	[sflag:s1] =	ssyncadd.s32 $0xFFFF4000  }
0x6b: {  	_ =	sfence.sel $0x180000  }
0x6c: {  	[bflag:$0x0] =	sbarrier.arrive $0xFFFF  }
0x6d: {  	_ =	strace $0x90000047  }
0x6e: {  	s0 =	stileid.u32;
	[bflag:$0x2] =	sbarrier.arrive $0xFFFF  }
0x6f: {  	p0 =	sne.s32 s0, $0x0;
	s0 =	rddreg [dreg:$0x3]  }
0x70: {  	s0 =	sadd.s32 @!p0 $0x100000, s0  }
0x71: {  	[sflag:s0] =	ssyncadd.tile.s32 @!p0 $0x1;
	_ =	shalt  }
.Lfunc_end2:
_tile_overlayer_lowered:
.L_overlay_start_2:
0x72: {  	(tag) =	ssettag $0x2  }
0x73: {  	s0 =	rddreg [dreg:$0x0];
	s2 =	stileid.u32  }
0x74: {  	s1 =	rddreg [dreg:$0x1];
	p0 =	sne.s32 s2, $0x0  }
0x75: {  	s3 =	rddreg [dreg:$0x2];
	[bflag:$0x3] =	sbarrier.arrive $0xFFFF;
	s2 =	simm.s32 @!p0 $0x1C02  }
0x76: {  	[timem:s3], [sflag:s2] =	dma.local @!p0 [hbm:s0], s1  }
0x77: {  	s0 =	simm.s32 @!p0 $0x2  }
0x78: {  	_ =	swait.ge @!p0 [sflag:s0], s1  }
0x79: {  	s1 =	ssub.s32 @!p0 $0x0, s1;
	[sflag:s0] =	ssyncset.done @!p0 $0x0  }
0x7a: {  	[sflag:s0] =	ssyncadd.s32 @!p0 s1  }
0x7b: {  	[bflag:$0x3] =	sbarrier.arrive $0xFFFF  }
0x7c: {  	_ =	shalt  }

// kernel: kernel.9.cloned.1.call-start
scs
__scs_entry_jumppad:
0x0: {  	(pc) =	sbr.rel $0x88, $3  }
0x1: {  	(tag) =	ssettag $0x0;
	lr =	simm.s32 $0x1  }
0x2: {  	[smem:$0x3F9A] =	sst lr;
	_ =	strace $0xD0000000  }
0x3: {  	_ = 	snop  }
0x4: {  	_ = 	snop  }
0x5: {  	_ = 	snop  }
0x6: {  	_ = 	snop  }
0x7: {  	_ = 	snop  }
__scs_overlays_trampoline_lowered:
0x8: {  	[smem:$0x3FA9] =	sst s0  }
0x9: {  	[smem:$0x3FAA] =	sst s1  }
0xa: {  	[smem:$0x3FAB] =	sst s2  }
0xb: {  	[smem:$0x3FAC] =	sst s3  }
0xc: {  	[smem:$0x3FAD] =	sst s4  }
0xd: {  	[smem:$0x3FAE] =	sst s5  }
0xe: {  	[smem:$0x3FAF] =	sst s6  }
0xf: {  	[smem:$0x3FB0] =	sst s7  }
0x10: {  	[smem:$0x3FB1] =	sst s8  }
0x11: {  	[smem:$0x3FB2] =	sst s9;
	s0 =	simm.s32 @!p0 $0x0  }
0x12: {  	s1 =	sld [smem:$0x3F98];
	s0 =	simm.s32 @p0 $0x1  }
0x13: {  	[smem:$0x3FB3] =	sst s0;
	s0 =	simm.s32 @!p1 $0x0  }
0x14: {  	s2 =	sld [smem:$0x3F97];
	s0 =	simm.s32 @p1 $0x1  }
0x15: {  	[smem:$0x3FB4] =	sst s0;
	s0 =	simm.s32 @!p2 $0x0  }
0x16: {  	s3 =	sld [smem:$0x3FDB];
	s0 =	simm.s32 @p2 $0x1  }
0x17: {  	s4 =	simm.s32 $0x1BF5;
	[smem:$0x3FB6] =	sst s0  }
0x18: {  	s0 =	sld [smem:$0x3F99];
	_ =	swait.ge [sflag:s4], $0x0  }
0x19: {  	s7 =	sld [smem:$0x3F9A]  }
0x1a: {  	s8 =	sadd.s32 $0xFFFFE003, lr  }
0x1b: {  	s9 =	sadd.s32 $0xFFFFFEF7, lr;
	s5 =	simm.s32 $0xFFFFFFFF;
	p2 =	slt.u32 s8, $0xFFFFF086  }
0x1c: {  	p1 =	slt.u32 s9, $0xF7A;
	s5 =	simm.s32 @!p2 $0x0  }
0x1d: {  	s5 =	simm.s32 @p1 $0x1;
	p0 =	seq.s32 s7, s2  }
0x1e: {  	s7 =	smul.u32 @!p0 $0xF7A, s2;
	p2 =	seq.s32 @!p0 s5, $0x0  }
0x1f: {  	s9 =	smul.u32 $0xF7A, s1;
	s8 =	simm.s32 @!p0 $0x1BF5;
	p2 =	por !p2, p0  }
0x20: {  	[sflag:s8] =	ssyncset.s32 @!p0 $0xFFFFF086;
	s6 =	sadd.s32 @!p0 s3, s7;
	s7 =	simm.s32 @!p0 $0x108  }
0x21: {  	s3 =	sadd.s32 s3, s9;
	s6 =	sadd.s32 @!p0 $0x88, s6;
	s7 =	simm.s32 @p2 $0x1082  }
0x22: {  	[simem:s7], [sflag:s8] =	dma.local @!p0 [hbm:s6], $0xF7A  }
0x23: {  	s9 =	sor.u32 $0xD0000000, s2;
	s6 =	simm.s32 $0x108;
	_ =	swait.ge @!p0 [sflag:s8], $0x0  }
0x24: {  	s3 =	sadd.s32 $0x88, s3;
	s6 =	simm.s32 @!p1 $0x1082;
	[sflag:s4] =	ssyncset.s32 $0xFFFFF086  }
0x25: {  	[simem:s6], [sflag:s4] =	dma.local [hbm:s3], $0xF7A  }
0x26: {  	[smem:$0x3F9A] =	sst s1;
	(tag) =	ssettag s2;
	_ =	strace s9  }
0x27: {  	s1 =	sld [smem:$0x3FAA]  }
0x28: {  	s2 =	sld [smem:$0x3FAB]  }
0x29: {  	s4 =	sld [smem:$0x3FAD]  }
0x2a: {  	p0 =	seq.s32 s5, $0x0;
	s5 =	sld [smem:$0x3FAE]  }
0x2b: {  	s6 =	sld [smem:$0x3FAF]  }
0x2c: {  	s7 =	sld [smem:$0x3FB0]  }
0x2d: {  	s3 =	simm.s32 $0x108;
	s8 =	sld [smem:$0x3FB1]  }
0x2e: {  	s3 =	simm.s32 @!p0 $0x1082;
	s9 =	sld [smem:$0x3FB2]  }
0x2f: {  	lr =	sadd.s32 s0, s3;
	s0 =	sld [smem:$0x3FA9]  }
0x30: {  	s3 =	sld [smem:$0x3FAC]  }
0x31: {  	[smem:$0x3FB5] =	sst s10  }
0x32: {  	s10 =	sld [smem:$0x3FB3];
	_ =	sdelay $0x3  }
0x33: {  	p0 =	seq.s32 s10, $0x1;
	s10 =	sld [smem:$0x3FB5];
	_ =	sdelay $0x3  }
0x34: {  	[smem:$0x3FB5] =	sst s10  }
0x35: {  	s10 =	sld [smem:$0x3FB4];
	_ =	sdelay $0x3  }
0x36: {  	p1 =	seq.s32 s10, $0x1;
	s10 =	sld [smem:$0x3FB5];
	_ =	sdelay $0x3  }
0x37: {  	[smem:$0x3FB5] =	sst s10  }
0x38: {  	s10 =	sld [smem:$0x3FB6]  }
0x39: {  	_ = 	snop;
	(pc) =	sbr.ind lr, $3  }
0x3a: {  	_ = 	snop  }
0x3b: {  	_ = 	snop  }
0x3c: {  	p2 =	seq.s32 s10, $0x1;
	s10 =	sld [smem:$0x3FB5]  }
0x3d: {  	_ =	shalt  }
0x3e: {  	_ =	shalt  }
0x3f: {  	_ =	shalt  }
0x40: {  	_ =	shalt  }
0x41: {  	_ =	shalt  }
0x42: {  	_ =	shalt  }
0x43: {  	_ =	shalt  }
0x44: {  	_ =	shalt  }
0x45: {  	_ =	shalt  }
0x46: {  	_ =	shalt  }
0x47: {  	_ =	shalt  }
0x48: {  	_ =	shalt  }
0x49: {  	_ =	shalt  }
0x4a: {  	_ =	shalt  }
0x4b: {  	_ =	shalt  }
0x4c: {  	_ =	shalt  }
0x4d: {  	_ =	shalt  }
0x4e: {  	_ =	shalt  }
0x4f: {  	_ =	shalt  }
0x50: {  	_ =	shalt  }
0x51: {  	_ =	shalt  }
0x52: {  	_ =	shalt  }
0x53: {  	_ =	shalt  }
0x54: {  	_ =	shalt  }
0x55: {  	_ =	shalt  }
0x56: {  	_ =	shalt  }
0x57: {  	_ =	shalt  }
0x58: {  	_ =	shalt  }
0x59: {  	_ =	shalt  }
0x5a: {  	_ =	shalt  }
0x5b: {  	_ =	shalt  }
0x5c: {  	_ =	shalt  }
0x5d: {  	_ =	shalt  }
0x5e: {  	_ =	shalt  }
0x5f: {  	_ =	shalt  }
0x60: {  	_ =	shalt  }
0x61: {  	_ =	shalt  }
0x62: {  	_ =	shalt  }
0x63: {  	_ =	shalt  }
0x64: {  	_ =	shalt  }
0x65: {  	_ =	shalt  }
0x66: {  	_ =	shalt  }
0x67: {  	_ =	shalt  }
0x68: {  	_ =	shalt  }
0x69: {  	_ =	shalt  }
0x6a: {  	_ =	shalt  }
0x6b: {  	_ =	shalt  }
0x6c: {  	_ =	shalt  }
0x6d: {  	_ =	shalt  }
0x6e: {  	_ =	shalt  }
0x6f: {  	_ =	shalt  }
0x70: {  	_ =	shalt  }
0x71: {  	_ =	shalt  }
0x72: {  	_ =	shalt  }
0x73: {  	_ =	shalt  }
0x74: {  	_ =	shalt  }
0x75: {  	_ =	shalt  }
0x76: {  	_ =	shalt  }
0x77: {  	_ =	shalt  }
0x78: {  	_ =	shalt  }
0x79: {  	_ =	shalt  }
0x7a: {  	_ =	shalt  }
0x7b: {  	_ =	shalt  }
0x7c: {  	_ =	shalt  }
0x7d: {  	_ =	shalt  }
0x7e: {  	_ =	shalt  }
0x7f: {  	_ =	shalt  }
0x80: {  	_ =	shalt  }
0x81: {  	_ =	shalt  }
0x82: {  	_ =	shalt  }
0x83: {  	_ =	shalt  }
0x84: {  	_ =	shalt  }
0x85: {  	_ =	shalt  }
0x86: {  	_ =	shalt  }
0x87: {  	_ =	shalt  }
.Lfunc_end0:
.L_simem_size_0:
called_computation.1_lowered:
.L_overlay_start_0:
0x88: {  	s2 =	sld [smem:$0x3FD9]  }
0x89: {  	s3 =	sld [smem:$0x3FFE];
	_ =	sdelay $0x1  }
0x8a: {  	s1 =	srdreg.scid  }
0x8b: {  	s0 =	sand.u32 $0x1, s1  }
0x8c: {  	s17 =	sshll.u32 s0, $0xA;
	s2 =	sadd.s32 s3, s2  }
0x8d: {  	s2 =	sadd.s32 s2, s17  }
0x8e: {  	[smem:$0x3FC1] =	sst s2  }
0x8f: {  	_ = 	snop  }
0x90: {  	s2 =	sld [smem:$0x3FD0];
	(tm) =	ssettm $0x1  }
0x91: {  	s18 =	sld [smem:$0x3FFB];
	_ =	sdelay $0x3  }
0x92: {  	_ =	strace s18  }
0x93: {  	s3 =	sld [smem:$0x3FFC];
	_ =	sdelay $0x3  }
0x94: {  	_ =	strace s3  }
0x95: {  	s3 =	sld [smem:$0x3FFD];
	_ =	sdelay $0x3  }
0x96: {  	_ =	strace s3  }
0x97: {  	_ =	strace $0x8FFFFFFF  }
0x98: {  	s19 =	sld [smem:$0x3FDB];
	_ =	sdelay $0x1  }
0x99: {  	s4 =	simm.s32 $_scs_section_size  }
0x9a: {  	s5 =	simm.s32 $_size__tile_overlayer_lowered;
	s6 =	simm.s32 $_tile_overlayer_lowered  }
0x9b: {  	s22 =	simm.s32 $0x1BFF;
	s21 =	sshll.u32 s6, $0x1;
	s3 =	sadd.s32 s4, s19  }
0x9c: {  	s7 =	simm.s32 $0x0;
	s20 =	sshll.u32 s5, $0x1;
	s5 =	sadd.s32 s21, s3  }
0x9d: {  	[timem:s7], [sflag:s22] =	dma.local [hbm:s5], s20  }
0x9e: {  	_ =	swait.ge [sflag:s22], s20  }
0x9f: {  	s4 =	ssub.s32 $0x0, s20;
	[sflag:s22] =	ssyncset.done $0x0  }
0xa0: {  	[sflag:s22] =	ssyncadd.s32 s4;
	_ =	sdelay $0x1  }
0xa1: {  	s23 =	simm.s32 $0x1B8B  }
0xa2: {  	_ =	swait.ge [sflag:s23], $0x1  }
0xa3: {  	[sflag:s23] =	ssyncset.done $0x0  }
0xa4: {  	s25 =	simm.s32 $0x1B8E;
	s24 =	sld [smem:$0x3FFE];
	[sflag:s23] =	ssyncadd.s32 $0xFFFFFFFF  }
0xa5: {  	s26 =	simm.s32 $execute0_lowered;
	[smem:$0x3FD2] =	sst s25  }
0xa6: {  	s5 =	sshll.u32 s26, $0x1;
	_ =	strace $0x80000049;
	[dreg:$0x1] =	wrdreg $0xFFFFFFFF  }
0xa7: {  	s28 =	simm.s32 $_size_execute0_lowered;
	s3 =	sadd.s32 s3, s5;
	[dreg:$0x0] =	wrdreg $0x0  }
0xa8: {  	s5 =	sshll.u32 s28, $0x1;
	[dreg:$0x2] =	wrdreg s3  }
0xa9: {  	[dreg:$0x3] =	wrdreg s5  }
0xaa: {  	[dreg:$0x4] =	wrdreg $0xC0  }
0xab: {  	_ =	task [dreg:s7], $0x5FFFF  }
0xac: {  	[dreg:$0x1] =	wrdreg $0xFFFFFFFF  }
0xad: {  	[dreg:$0x0] =	wrdreg $0x60  }
0xae: {  	[dreg:$0x2] =	wrdreg s24  }
0xaf: {  	[dreg:$0x3] =	wrdreg s2  }
0xb0: {  	[dreg:$0x4] =	wrdreg $0x9  }
0xb1: {  	_ =	task.clear_ibuf [dreg:s7], $0x5FFFF;
	_ =	strace $0x90000049  }
0xb2: {  	s29 =	simm.s32 $0x9;
	_ =	strace $0x8000004B  }
0xb3: {  	_ =	swait.ge [sflag:s29], $0x1  }
0xb4: {  	[sflag:s29] =	ssyncadd.s32 $0xFFFFFFFF  }
0xb5: {  	_ =	strace $0x9000004B  }
0xb6: {  	_ =	sfence  }
0xb7: {  	s30 =	sld [smem:$0x0];
	_ =	sdelay $0x2  }
0xb8: {  	s31 =	sshll.u32 s1, $0xD;
	s1 =	sshrl.u32 s1, $0x2  }
0xb9: {  	s3 =	sand.u32 $0x4000, s31;
	s1 =	sadd.s32 s1, s30  }
0xba: {  	s0 =	sor.u32 s3, s0;
	s1 =	sshll.u32 s1, $0x11  }
0xbb: {  	s0 =	sor.u32 s1, s0  }
0xbc: {  	s0 =	sadd.s32 $0x8F2B, s0  }
0xbd: {  	[sflag:s0] =	ssyncadd.remote.s32 $0x1  }
0xbe: {  	_ =	sfence.sel $0xFFFF  }
0xbf: {  	[dreg:$0x0] =	wrdreg $0xFFFFFFFF;
	(pc) =	sbr.abs _section_cstart, $3  }
0xc0: {  	[dreg:$0x1] =	wrdreg $0xFFFFFFFF  }
0xc1: {  	_ =	task.clear_ibuf [dreg:s7], $0x2FFFF;
	_ =	strace $0x9FFFFFFF  }
0xc2: {  	(tm) =	ssettm $0x7FFFFFFF  }
0xc3: {  	_ =	shalt  }
tec
execute0_lowered:
.L_overlay_start_1:
0x0: {  	(tag) =	ssettag $0x1  }
0x1: {  	s0 =	rddreg [dreg:$0x0]  }
0x2: {  	s5 =	rddreg [dreg:$0x1];
	s3 =	srdreg.scid  }
0x3: {  	s2 =	simm.s32 $0x0;
	s1 =	stileid.u32;
	s26 =	simm.s32 $0x880  }
0x4: {  	s10 =	simm.s32 $0x1880;
	s11 =	simm.s32 $0x2080;
	s12 =	simm.s32 $0x2880  }
0x5: {  	s13 =	simm.s32 $0x3080;
	s14 =	simm.s32 $0x3880;
	s15 =	simm.s32 $0x4080  }
0x6: {  	s16 =	simm.s32 $0x4880;
	s17 =	simm.s32 $0x5080;
	s18 =	simm.s32 $0x5880  }
0x7: {  	s19 =	simm.s32 $0x6080;
	s20 =	simm.s32 $0x6880;
	s21 =	simm.s32 $0x7080  }
0x8: {  	s22 =	simm.s32 $0x7880;
	s28 =	simm.s32 $0xA080;
	s29 =	simm.s32 $0xA880  }
0x9: {  	s30 =	simm.s32 $0xB080;
	s31 =	simm.s32 $0xB880;
	s3 =	sand.u32 $0x1, s3  }
0xa: {  	[smem:$0x7FF] =	sst s2;
	s4 =	sshll.u32 s1, $0x4;
	s6 =	sshll.u32 s3, $0x3  }
0xb: {  	_ =	strace $0x8000004A;
	s23 =	ssub.s32 $0x2, s3;
	s3 =	sadd.s32 $0x1400, s0  }
0xc: {  	[dreg:$0x5] =	wrdreg s26;
	s26 =	simm.s32 $0x9880;
	s4 =	sor.u32 s6, s4  }
0xd: {  	s8 =	sshrl.u32 s23, $0x1;
	s7 =	sadd.s32 s4, s0;
	s9 =	smul.u32 $0x300, s4  }
0xe: {  	s6 =	ssub.s32 s23, s8;
	s4 =	sadd.s32 $0x1500, s0;
	s8 =	simm.s32 $0x80  }
0xf: {  	s23 =	simm.s32 $0x8080;
	s24 =	sadd.s32 $0x1200, s7;
	s6 =	smax.u32 s6, $0x1  }
0x10: {  	v2 =	vlaneseq.u32;
	s7 =	simm.s32 $0x2;
	[dreg:$0x3] =	wrdreg s24;
	s25 =	sadd.s32 s5, s9  }
0x11: {  	vm0 =	vmmov $0xffff;
	v1 =	vshrl.u32 v2, $0x3;
	s5 =	sadd.s32 $0x1600, s0;
	s9 =	simm.s32 $0x1080;
	s24 =	simm.s32 $0x8880  }
0x12: {  	v0 =	vand.u32 $0x7, v2;
	v2 =	vor.u32 $0x8, v2;
	v1 =	vmul.u32 $0x8, v1;
	s0 =	simm.s32 $0x1;
	[dreg:$0x4] =	wrdreg s25;
	s25 =	simm.s32 $0x9080  }
.LBB2_1:
0x13: {  	s1 =	rddreg [dreg:$0x3]  }
0x14: {  	[tilespmem:s2], [sflag:$0x2] =	stream.linear.gather [hbm4b:s1+s2], $0x40, $0x38;
	[tilespmem:$0xC080] =	vst v63  }
0x15: {  	_ =	swait.ge [sflag:s7], $0x40  }
0x16: {  	[sflag:s7] =	ssyncset.done $0x0  }
0x17: {  	[sflag:s7] =	ssyncadd.s32 $0xFFFFFFC0  }
0x18: {  	v3 =	vld [tilespmem:$0x0];
	_ =	sdelay $0x4  }
0x19: {  	v4 =	vshrl.u32 v3, $0x3  }
0x1a: {  	v4 =	vmul.u32 $0x30, v4  }
0x1b: {  	v3 =	vand.u32 $0x7, v3  }
0x1c: {  	v3 =	vor.u32 v3, v4  }
0x1d: {  	v4 =	vperm.xlane v3, v0;
	_ =	sdelay $0x1  }
0x1e: {  	v4 =	vadd.s32 v1, v4;
	_ =	sdelay $0x3  }
0x1f: {  	v3 =	vperm.xlane v3, v2  }
0x20: {  	[tilespmem:s8], [sflag:$0x1] =	stream.indirect_vreg.gather [hbm4b:s3+s2], $0x80, v4, vm0, $0xb8;
	[tilespmem:$0xC080] =	vst v63  }
0x21: {  	s1 =	rddreg [dreg:$0x5];
	v3 =	vadd.s32 v1, v3  }
0x22: {  	[tilespmem:s1], [sflag:$0x1] =	stream.indirect_vreg.gather [hbm4b:s4+s2], $0x80, v4, vm0, $0xb8;
	[tilespmem:$0xC080] =	vst v63  }
0x23: {  	_ = 	snop  }
0x24: {  	[tilespmem:s9], [sflag:$0x1] =	stream.indirect_vreg.gather [hbm4b:s5+s2], $0x80, v4, vm0, $0xb8;
	[tilespmem:$0xC080] =	vst v63  }
0x25: {  	_ = 	snop  }
0x26: {  	[tilespmem:s10], [sflag:$0x1] =	stream.indirect_vreg.gather [hbm4b:s3+s2], $0x80, v3, vm0, $0xb8;
	[tilespmem:$0xC080] =	vst v63  }
0x27: {  	_ = 	snop  }
0x28: {  	[tilespmem:s11], [sflag:$0x1] =	stream.indirect_vreg.gather [hbm4b:s4+s2], $0x80, v3, vm0, $0xb8;
	[tilespmem:$0xC080] =	vst v63  }
0x29: {  	_ = 	snop  }
0x2a: {  	[tilespmem:s12], [sflag:$0x1] =	stream.indirect_vreg.gather [hbm4b:s5+s2], $0x80, v3, vm0, $0xb8;
	[tilespmem:$0xC080] =	vst v63  }
0x2b: {  	v3 =	vld [tilespmem:$0x10];
	_ =	sdelay $0x4  }
0x2c: {  	v61 =	vshrl.u32 v3, $0x3  }
0x2d: {  	v4 =	vmul.u32 $0x30, v61  }
0x2e: {  	v3 =	vand.u32 $0x7, v3  }
0x2f: {  	v3 =	vor.u32 v3, v4  }
0x30: {  	v4 =	vperm.xlane v3, v0;
	_ =	sdelay $0x1  }
0x31: {  	v4 =	vadd.s32 v1, v4;
	_ =	sdelay $0x3  }
0x32: {  	v3 =	vperm.xlane v3, v2  }
0x33: {  	[tilespmem:s13], [sflag:$0x1] =	stream.indirect_vreg.gather [hbm4b:s3+s2], $0x80, v4, vm0, $0xb8;
	[tilespmem:$0xC080] =	vst v63  }
0x34: {  	v3 =	vadd.s32 v1, v3  }
0x35: {  	[tilespmem:s14], [sflag:$0x1] =	stream.indirect_vreg.gather [hbm4b:s4+s2], $0x80, v4, vm0, $0xb8;
	[tilespmem:$0xC080] =	vst v63  }
0x36: {  	_ = 	snop  }
0x37: {  	[tilespmem:s15], [sflag:$0x1] =	stream.indirect_vreg.gather [hbm4b:s5+s2], $0x80, v4, vm0, $0xb8;
	[tilespmem:$0xC080] =	vst v63  }
0x38: {  	_ = 	snop  }
0x39: {  	[tilespmem:s16], [sflag:$0x1] =	stream.indirect_vreg.gather [hbm4b:s3+s2], $0x80, v3, vm0, $0xb8;
	[tilespmem:$0xC080] =	vst v63  }
0x3a: {  	_ = 	snop  }
0x3b: {  	[tilespmem:s17], [sflag:$0x1] =	stream.indirect_vreg.gather [hbm4b:s4+s2], $0x80, v3, vm0, $0xb8;
	[tilespmem:$0xC080] =	vst v63  }
0x3c: {  	_ = 	snop  }
0x3d: {  	[tilespmem:s18], [sflag:$0x1] =	stream.indirect_vreg.gather [hbm4b:s5+s2], $0x80, v3, vm0, $0xb8;
	[tilespmem:$0xC080] =	vst v63  }
0x3e: {  	v3 =	vld [tilespmem:$0x20];
	_ =	sdelay $0x4  }
0x3f: {  	v62 =	vshrl.u32 v3, $0x3  }
0x40: {  	v4 =	vmul.u32 $0x30, v62  }
0x41: {  	v3 =	vand.u32 $0x7, v3  }
0x42: {  	v3 =	vor.u32 v3, v4  }
0x43: {  	v4 =	vperm.xlane v3, v0;
	_ =	sdelay $0x1  }
0x44: {  	v4 =	vadd.s32 v1, v4;
	_ =	sdelay $0x3  }
0x45: {  	v3 =	vperm.xlane v3, v2  }
0x46: {  	[tilespmem:s19], [sflag:$0x1] =	stream.indirect_vreg.gather [hbm4b:s3+s2], $0x80, v4, vm0, $0xb8;
	[tilespmem:$0xC080] =	vst v63  }
0x47: {  	v3 =	vadd.s32 v1, v3  }
0x48: {  	[tilespmem:s20], [sflag:$0x1] =	stream.indirect_vreg.gather [hbm4b:s4+s2], $0x80, v4, vm0, $0xb8;
	[tilespmem:$0xC080] =	vst v63  }
0x49: {  	_ = 	snop  }
0x4a: {  	[tilespmem:s21], [sflag:$0x1] =	stream.indirect_vreg.gather [hbm4b:s5+s2], $0x80, v4, vm0, $0xb8;
	[tilespmem:$0xC080] =	vst v63  }
0x4b: {  	_ = 	snop  }
0x4c: {  	[tilespmem:s22], [sflag:$0x1] =	stream.indirect_vreg.gather [hbm4b:s3+s2], $0x80, v3, vm0, $0xb8;
	[tilespmem:$0xC080] =	vst v63  }
0x4d: {  	_ = 	snop  }
0x4e: {  	[tilespmem:s23], [sflag:$0x1] =	stream.indirect_vreg.gather [hbm4b:s4+s2], $0x80, v3, vm0, $0xb8;
	[tilespmem:$0xC080] =	vst v63  }
0x4f: {  	_ = 	snop  }
0x50: {  	[tilespmem:s24], [sflag:$0x1] =	stream.indirect_vreg.gather [hbm4b:s5+s2], $0x80, v3, vm0, $0xb8;
	[tilespmem:$0xC080] =	vst v63  }
0x51: {  	v3 =	vld [tilespmem:$0x30];
	_ =	sdelay $0x4  }
0x52: {  	v63 =	vshrl.u32 v3, $0x3  }
0x53: {  	v4 =	vmul.u32 $0x30, v63  }
0x54: {  	v3 =	vand.u32 $0x7, v3  }
0x55: {  	v3 =	vor.u32 v3, v4  }
0x56: {  	v4 =	vperm.xlane v3, v0;
	_ =	sdelay $0x1  }
0x57: {  	v4 =	vadd.s32 v1, v4;
	_ =	sdelay $0x3  }
0x58: {  	v3 =	vperm.xlane v3, v2  }
0x59: {  	[tilespmem:s25], [sflag:$0x1] =	stream.indirect_vreg.gather [hbm4b:s3+s2], $0x80, v4, vm0, $0xb8;
	[tilespmem:$0xC080] =	vst v63  }
0x5a: {  	v3 =	vadd.s32 v1, v3  }
0x5b: {  	[tilespmem:s26], [sflag:$0x1] =	stream.indirect_vreg.gather [hbm4b:s4+s2], $0x80, v4, vm0, $0xb8;
	[tilespmem:$0xC080] =	vst v63  }
0x5c: {  	_ = 	snop  }
0x5d: {  	[tilespmem:s28], [sflag:$0x1] =	stream.indirect_vreg.gather [hbm4b:s5+s2], $0x80, v4, vm0, $0xb8;
	[tilespmem:$0xC080] =	vst v63  }
0x5e: {  	_ = 	snop  }
0x5f: {  	[tilespmem:s29], [sflag:$0x1] =	stream.indirect_vreg.gather [hbm4b:s3+s2], $0x80, v3, vm0, $0xb8;
	[tilespmem:$0xC080] =	vst v63  }
0x60: {  	_ = 	snop  }
0x61: {  	[tilespmem:s30], [sflag:$0x1] =	stream.indirect_vreg.gather [hbm4b:s4+s2], $0x80, v3, vm0, $0xb8;
	[tilespmem:$0xC080] =	vst v63  }
0x62: {  	_ = 	snop  }
0x63: {  	[tilespmem:s31], [sflag:$0x1] =	stream.indirect_vreg.gather [hbm4b:s5+s2], $0x80, v3, vm0, $0xb8;
	[tilespmem:$0xC080] =	vst v63  }
0x64: {  	_ =	swait.ge [sflag:s0], $0xC000  }
0x65: {  	p0 =	sne.s32 s6, $0x1;
	[sflag:s0] =	ssyncset.done $0x0  }
.Ltmp0:
0x66: {  	s1 =	rddreg [dreg:$0x4];
	[sflag:s0] =	ssyncadd.s32 $0xFFFF4000;
	(pc) =	sbr.rel @p0 .LBB2_1-.Ltmp0, $4  }
0x67: {  	[hbm4b:s1+s2] =	stream.linear.scatter [tilespmem:s8], [sflag:$0x2], $0xC000, $0x38;
	[tilespmem:$0xC080] =	vst v63  }
0x68: {  	_ =	swait.ge [sflag:s7], $0xC000  }
0x69: {  	[sflag:s7] =	ssyncset.done $0x0  }
0x6a: {  	s6 =	sadd.s32 $0xFFFFFFFF, s6;
	[sflag:s7] =	ssyncadd.s32 $0xFFFF4000  }
0x6b: {  	_ =	sfence.sel $0x180000  }
0x6c: {  	[bflag:$0x0] =	sbarrier.arrive $0xFFFF  }
0x6d: {  	_ =	strace $0x9000004A  }
0x6e: {  	s0 =	stileid.u32;
	[bflag:$0x2] =	sbarrier.arrive $0xFFFF  }
0x6f: {  	p0 =	sne.s32 s0, $0x0;
	s0 =	rddreg [dreg:$0x2]  }
0x70: {  	s0 =	sadd.s32 @!p0 $0x100000, s0  }
0x71: {  	[sflag:s0] =	ssyncadd.tile.s32 @!p0 $0x1;
	_ =	shalt  }
.Lfunc_end2:
_tile_overlayer_lowered:
.L_overlay_start_2:
0x72: {  	(tag) =	ssettag $0x2  }
0x73: {  	s0 =	rddreg [dreg:$0x0];
	s2 =	stileid.u32  }
0x74: {  	s1 =	rddreg [dreg:$0x1];
	p0 =	sne.s32 s2, $0x0  }
0x75: {  	s3 =	rddreg [dreg:$0x2];
	[bflag:$0x3] =	sbarrier.arrive $0xFFFF;
	s2 =	simm.s32 @!p0 $0x1C02  }
0x76: {  	[timem:s3], [sflag:s2] =	dma.local @!p0 [hbm:s0], s1  }
0x77: {  	s0 =	simm.s32 @!p0 $0x2  }
0x78: {  	_ =	swait.ge @!p0 [sflag:s0], s1  }
0x79: {  	s1 =	ssub.s32 @!p0 $0x0, s1;
	[sflag:s0] =	ssyncset.done @!p0 $0x0  }
0x7a: {  	[sflag:s0] =	ssyncadd.s32 @!p0 s1  }
0x7b: {  	[bflag:$0x3] =	sbarrier.arrive $0xFFFF  }
0x7c: {  	_ =	shalt  }

</sc_bundles>
